<compile_context>
chip_gen: v7x
topology: tpu7x:2x2x1
jax: 0.10.2.dev20260603
libtpu: 0.0.44.dev20260713+nightly
codegen_flags: <defaults>
</compile_context>

<pallas_src>
import functools

import jax
import jax.numpy as jnp
from jax import lax
from jax.experimental import pallas as pl
from jax.experimental.pallas import tpu as pltpu
from jax.experimental.pallas import tpu_sc as plsc

PROJ = 1000
DET = 513
IMG = 362
BSZ = 5
NNZ = 4_000_000
NROWS = IMG * IMG
NCOLS = DET * PROJ
NROWS_PAD = 131072
NCOLS_PAD = 513024

L = 128
IDXROWS = NNZ // L
CH = 61
CHN = CH * L
CHUNKS = 512
TAILROWS = IDXROWS - CHUNKS * CH
PER_SC_CH = CHUNKS // 2
PER_TILE_CH = PER_SC_CH // 16
PAIRS = PER_TILE_CH // 2

TBL_SLC = 32064
TBL_LAST = NCOLS - 15 * TBL_SLC
TP = 4008
TP_LAST = TBL_LAST - 7 * TP
ACC_SLC = NROWS_PAD // 16
ZB = 4096

_mesh = plsc.VectorSubcoreMesh(core_axis_name="c", subcore_axis_name="s")


@functools.partial(
    pl.kernel,
    out_type=jax.ShapeDtypeStruct((2 * (BSZ + 1) * NROWS_PAD,), jnp.float32),
    mesh=_mesh,
    scratch_types=[
        pltpu.VMEM_SHARED((NCOLS_PAD,), jnp.float32),
        pltpu.VMEM_SHARED((NROWS_PAD,), jnp.float32),
        pltpu.VMEM_SHARED((NROWS_PAD,), jnp.float32),
        pltpu.VMEM((CHN,), jnp.int32),
        pltpu.VMEM((CHN,), jnp.int32),
        pltpu.VMEM((CHN,), jnp.int32),
        pltpu.VMEM((CHN,), jnp.int32),
        pltpu.VMEM((CHN,), jnp.float32),
        pltpu.VMEM((CHN,), jnp.float32),
        pltpu.VMEM((CHN,), jnp.float32),
        pltpu.VMEM((CHN,), jnp.float32),
        pltpu.VMEM((CHN,), jnp.float32),
        pltpu.VMEM((ZB,), jnp.float32),
        pltpu.VMEM((L,), jnp.int32),
        pltpu.VMEM((L,), jnp.int32),
        pltpu.VMEM((L,), jnp.float32),
        pltpu.VMEM((L,), jnp.float32),
        pltpu.VMEM((L,), jnp.float32),
        pltpu.SemaphoreType.DMA,
        pltpu.SemaphoreType.DMA,
        pltpu.SemaphoreType.DMA,
        pltpu.SemaphoreType.DMA,
        pltpu.SemaphoreType.DMA,
        pltpu.SemaphoreType.DMA,
        pltpu.SemaphoreType.DMA,
        pltpu.SemaphoreType.DMA,
    ],
)
def _bp_sc(flat, rows, cols, vals, zeros_hbm, out,
           table, acc, acc2,
           rbuf0, rbuf1, cbuf0, cbuf1, vbuf0, vbuf1, gbuf, pbuf0, pbuf1,
           zbuf, trowb, tcolb, tvalb, tgathb, tprodb,
           sem_st0, sem_st1, sem_g, sem_sc0, sem_sc1, sem_s20, sem_s21, sem_t):
    c = lax.axis_index("c")
    s = lax.axis_index("s")
    rbuf = (rbuf0, rbuf1)
    cbuf = (cbuf0, cbuf1)
    vbuf = (vbuf0, vbuf1)
    pbuf = (pbuf0, pbuf1)
    sem_st = (sem_st0, sem_st1)
    sem_sc = (sem_sc0, sem_sc1)
    sem_s2 = (sem_s20, sem_s21)

    my_chunk0 = c * PER_SC_CH + s * PER_TILE_CH

    pltpu.sync_copy(zeros_hbm, zbuf)

    def nnz_off(k):
        return pl.multiple_of((my_chunk0 + k) * CHN, 8)

    def fire_stage(b, k):
        off = nnz_off(k)
        pltpu.async_copy(rows.at[pl.ds(off, CHN)], rbuf[b], sem_st[b])
        pltpu.async_copy(cols.at[pl.ds(off, CHN)], cbuf[b], sem_st[b])
        pltpu.async_copy(vals.at[pl.ds(off, CHN)], vbuf[b], sem_st[b])

    def wait_stage(b, k):
        off = nnz_off(k)
        pltpu.make_async_copy(rows.at[pl.ds(off, CHN)], rbuf[b], sem_st[b]).wait()
        pltpu.make_async_copy(cols.at[pl.ds(off, CHN)], cbuf[b], sem_st[b]).wait()
        pltpu.make_async_copy(vals.at[pl.ds(off, CHN)], vbuf[b], sem_st[b]).wait()

    def wait_scatter(b, with_sens):
        pltpu.make_async_copy(pbuf[b], acc.at[rbuf[b]], sem_sc[b]).wait()

        @pl.when(with_sens)
        def _():
            pltpu.make_async_copy(vbuf[b], acc2.at[rbuf[b]], sem_s2[b]).wait()

    def job_body(j, carry):
        with_sens = j == 0

        for h in range(ACC_SLC // ZB):
            pltpu.sync_copy(zbuf, acc.at[pl.ds(s * ACC_SLC + h * ZB, ZB)])

        @pl.when(with_sens)
        def _():
            for h in range(ACC_SLC // ZB):
                pltpu.sync_copy(zbuf, acc2.at[pl.ds(s * ACC_SLC + h * ZB, ZB)])

        tbl_off = pl.multiple_of(j * NCOLS + s * TBL_SLC, 8)

        @pl.when(s < 15)
        def _():
            for h in range(TBL_SLC // TP):
                src = flat.at[pl.ds(pl.multiple_of(tbl_off + h * TP, 8), TP)]
                pltpu.sync_copy(src, pbuf0.at[pl.ds(0, TP)])
                pltpu.sync_copy(pbuf0.at[pl.ds(0, TP)],
                                table.at[pl.ds(s * TBL_SLC + h * TP, TP)])

        @pl.when(s == 15)
        def _():
            for h in range(7):
                src = flat.at[pl.ds(pl.multiple_of(tbl_off + h * TP, 8), TP)]
                pltpu.sync_copy(src, pbuf0.at[pl.ds(0, TP)])
                pltpu.sync_copy(pbuf0.at[pl.ds(0, TP)],
                                table.at[pl.ds(15 * TBL_SLC + h * TP, TP)])
            src = flat.at[pl.ds(pl.multiple_of(tbl_off + 7 * TP, 8), TP_LAST)]
            pltpu.sync_copy(src, pbuf0.at[pl.ds(0, TP_LAST)])
            pltpu.sync_copy(pbuf0.at[pl.ds(0, TP_LAST)],
                            table.at[pl.ds(15 * TBL_SLC + 7 * TP, TP_LAST)])

        plsc.subcore_barrier()

        fire_stage(0, 0)

        def chunk_body(b, k):
            nb = 1 - b
            wait_stage(b, k)
            gd = pltpu.async_copy(table.at[cbuf[b]], gbuf, sem_g)

            @pl.when(k > 0)
            def _():
                wait_scatter(nb, with_sens)

            @pl.when(k < PER_TILE_CH - 1)
            def _():
                fire_stage(nb, k + 1)

            gd.wait()

            def mul_body(q, carry2):
                o = pl.multiple_of(q * 64, 16)
                for u in range(4):
                    sl = pl.ds(o + u * 16, 16)
                    pbuf[b][sl] = vbuf[b][sl] * gbuf[sl]
                return carry2

            lax.fori_loop(0, CHN // 64, mul_body, 0)

            pltpu.async_copy(pbuf[b], acc.at[rbuf[b]], sem_sc[b], add=True)

            @pl.when(with_sens)
            def _():
                pltpu.async_copy(vbuf[b], acc2.at[rbuf[b]], sem_s2[b], add=True)

        def pair_body(p, carry2):
            chunk_body(0, 2 * p)
            chunk_body(1, 2 * p + 1)
            return carry2

        lax.fori_loop(0, PAIRS, pair_body, 0)
        wait_scatter(1, with_sens)

        @pl.when(s == 15)
        def _():
            trow0 = CHUNKS * CH + (TAILROWS // 2) * c

            def tail_body(t, carry2):
                off = pl.multiple_of((trow0 + t) * L, 8)
                pltpu.sync_copy(rows.at[pl.ds(off, L)], trowb)
                pltpu.sync_copy(cols.at[pl.ds(off, L)], tcolb)
                pltpu.sync_copy(vals.at[pl.ds(off, L)], tvalb)
                pltpu.async_copy(table.at[tcolb], tgathb, sem_t).wait()
                for u in range(L // 16):
                    sl = pl.ds(u * 16, 16)
                    tprodb[sl] = tvalb[sl] * tgathb[sl]
                pltpu.async_copy(tprodb, acc.at[trowb], sem_t, add=True).wait()

                @pl.when(with_sens)
                def _():
                    pltpu.async_copy(tvalb, acc2.at[trowb], sem_t,
                                     add=True).wait()
                return carry2

            lax.fori_loop(0, TAILROWS // 2, tail_body, 0)

        plsc.subcore_barrier()

        out_off = pl.multiple_of((c * (BSZ + 1) + j) * NROWS_PAD + s * ACC_SLC, 8)
        for h in range(ACC_SLC // ZB):
            pltpu.sync_copy(acc.at[pl.ds(s * ACC_SLC + h * ZB, ZB)], zbuf)
            pltpu.sync_copy(zbuf, out.at[pl.ds(
                pl.multiple_of(out_off + h * ZB, 8), ZB)])

        @pl.when(with_sens)
        def _():
            sens_off = pl.multiple_of(
                (c * (BSZ + 1) + BSZ) * NROWS_PAD + s * ACC_SLC, 8)
            for h in range(ACC_SLC // ZB):
                pltpu.sync_copy(acc2.at[pl.ds(s * ACC_SLC + h * ZB, ZB)], zbuf)
                pltpu.sync_copy(zbuf, out.at[pl.ds(
                    pl.multiple_of(sens_off + h * ZB, 8), ZB)])

        pltpu.sync_copy(zeros_hbm, zbuf)
        return carry

    lax.fori_loop(0, BSZ, job_body, 0)


def kernel(filtered_sino, rows, cols, vals):
    flat = filtered_sino.reshape(-1)
    zeros = jnp.zeros((ZB,), jnp.float32)

    out = _bp_sc(flat, rows, cols, vals, zeros)
    out = out.reshape(2, BSZ + 1, NROWS_PAD)
    tot = out[0] + out[1]
    backward = tot[:BSZ, :NROWS]
    sens = tot[BSZ, :NROWS]
    return (backward / sens[None, :]).reshape(BSZ, IMG, IMG, 1)

# --- scband reference (transcript-rebuilt; emitter-appended) ---
"""Pipeline reference for scband-back-projection-layer-15951508538156 (READ-ONLY COPY).

The authoritative reference and input builder live on the scoring server;
editing this copy changes nothing except your own understanding.
"""

import jax, jax.numpy as jnp
import numpy as np

PROJ = 1000
DET = 513
IMG = 362
BSZ = 5
NNZ = 4000000
NROWS = IMG * IMG
NCOLS = DET * PROJ


def setup_inputs(seed: int = 0) -> dict:
    key = jax.random.key(seed)
    k1, k2, k3, k4 = jax.random.split(key, 4)
    filtered_sino = jax.random.normal(k1, (BSZ, PROJ, DET, 1), dtype=jnp.float32)
    # COO sparse transposed projection matrix [NROWS, NCOLS].
    # Guarantee every row has at least one nonzero so the sensitivity image
    # (backprojection of ones) is strictly positive, as for a real CT system.
    base_rows = jnp.arange(NROWS, dtype=jnp.int32)
    extra_rows = jax.random.randint(k2, (NNZ - NROWS,), 0, NROWS, dtype=jnp.int32)
    rows = jnp.sort(jnp.concatenate([base_rows, extra_rows]))
    cols = jax.random.randint(k3, (NNZ,), 0, NCOLS, dtype=jnp.int32)
    vals = jax.random.uniform(k4, (NNZ,), dtype=jnp.float32)
    return {"filtered_sino": filtered_sino, "rows": rows, "cols": cols, "vals": vals}


def reference(filtered_sino, rows, cols, vals):
    # Sensitivity image: backprojection of an all-ones sinogram
    # == tr_proj_matrix @ ones == segment_sum of vals by row.
    sens = jax.ops.segment_sum(vals, rows, num_segments=NROWS)
    sens_image = sens.reshape(1, IMG, IMG, 1)

    # Per-batch backprojection: flatten sinogram to [DET*PROJ] (row-major,
    # same as tf.reshape), then sparse @ dense via gather + scatter-add.
    flat = filtered_sino.reshape(BSZ, DET * PROJ)

    def bp_one(f):
        return jax.ops.segment_sum(vals * f[cols], rows, num_segments=NROWS)

    backward = jax.vmap(bp_one)(flat)  # [BSZ, NROWS]
    rec = backward.reshape(BSZ, IMG, IMG, 1)
    return rec / sens_image

if __name__ == "__main__":
    import jax
    _d = setup_inputs()
    print(jax.jit(kernel)(*tuple(_d.values())))

</pallas_src>

<mosaic_0001>
#map = affine_map<(d0, d1) -> (0)>
module attributes {stable_mosaic.version = 14 : i64} {
  func.func @_bp_sc(%arg0: i32, %arg1: i32, %arg2: memref<2565000xf32, #tpu.memory_space<hbm>>, %arg3: memref<4000000xi32, #tpu.memory_space<hbm>>, %arg4: memref<4000000xi32, #tpu.memory_space<hbm>>, %arg5: memref<4000000xf32, #tpu.memory_space<hbm>>, %arg6: memref<4096xf32, #tpu.memory_space<hbm>>, %arg7: memref<1572864xf32, #tpu.memory_space<hbm>>, %arg8: memref<513024xf32, #tpu.memory_space<vmem_shared>>, %arg9: memref<131072xf32, #tpu.memory_space<vmem_shared>>, %arg10: memref<131072xf32, #tpu.memory_space<vmem_shared>>, %arg11: memref<7808xi32, #tpu.memory_space<vmem>>, %arg12: memref<7808xi32, #tpu.memory_space<vmem>>, %arg13: memref<7808xi32, #tpu.memory_space<vmem>>, %arg14: memref<7808xi32, #tpu.memory_space<vmem>>, %arg15: memref<7808xf32, #tpu.memory_space<vmem>>, %arg16: memref<7808xf32, #tpu.memory_space<vmem>>, %arg17: memref<7808xf32, #tpu.memory_space<vmem>>, %arg18: memref<7808xf32, #tpu.memory_space<vmem>>, %arg19: memref<7808xf32, #tpu.memory_space<vmem>>, %arg20: memref<4096xf32, #tpu.memory_space<vmem>>, %arg21: memref<128xi32, #tpu.memory_space<vmem>>, %arg22: memref<128xi32, #tpu.memory_space<vmem>>, %arg23: memref<128xf32, #tpu.memory_space<vmem>>, %arg24: memref<128xf32, #tpu.memory_space<vmem>>, %arg25: memref<128xf32, #tpu.memory_space<vmem>>, %arg26: memref<!tpu.dma_semaphore, #tpu.memory_space<semaphore_mem>>, %arg27: memref<!tpu.dma_semaphore, #tpu.memory_space<semaphore_mem>>, %arg28: memref<!tpu.dma_semaphore, #tpu.memory_space<semaphore_mem>>, %arg29: memref<!tpu.dma_semaphore, #tpu.memory_space<semaphore_mem>>, %arg30: memref<!tpu.dma_semaphore, #tpu.memory_space<semaphore_mem>>, %arg31: memref<!tpu.dma_semaphore, #tpu.memory_space<semaphore_mem>>, %arg32: memref<!tpu.dma_semaphore, #tpu.memory_space<semaphore_mem>>, %arg33: memref<!tpu.dma_semaphore, #tpu.memory_space<semaphore_mem>>) attributes {dimension_semantics = [#tpu.dimension_semantics<core_parallel>, #tpu.dimension_semantics<subcore_parallel>], iteration_bounds = array<i64: 2, 16>, scalar_prefetch = 0 : i64, scratch_operands = 26 : i64, tpu.core_type = #tpu.core_type<sc_vector_subcore>, window_params = [{transform_indices = #map}, {transform_indices = #map}, {transform_indices = #map}, {transform_indices = #map}, {transform_indices = #map}, {transform_indices = #map}]} {
    %mul3A = arith.constant 256 : i32
    %mul3A_0 = arith.muli %arg0, %mul3A : i32
    %mul3A_1 = arith.constant 16 : i32
    %mul3A_2 = arith.muli %arg1, %mul3A_1 : i32
    %add3A = arith.addi %mul3A_0, %mul3A_2 : i32
    "tpu.region"() ({
      %run_scoped3A = tpu.sem_alloc : memref<!tpu.dma_semaphore, #tpu.memory_space<semaphore_mem>>
      tpu.enqueue_dma source(%arg6 : memref<4096xf32, #tpu.memory_space<hbm>>) target(%arg20 : memref<4096xf32, #tpu.memory_space<vmem>>) target_semaphore(%run_scoped3A : memref<!tpu.dma_semaphore, #tpu.memory_space<semaphore_mem>>)
      tpu.wait_dma2 semaphore(%run_scoped3A : memref<!tpu.dma_semaphore, #tpu.memory_space<semaphore_mem>>) src(%arg6 : memref<4096xf32, #tpu.memory_space<hbm>>) dst(%arg20 : memref<4096xf32, #tpu.memory_space<vmem>>)
      tpu.yield
    }) : () -> ()
    %scan3A = arith.constant 0 : i32
    %scan3A_3 = arith.constant 0 : i32
    %scan3A_4 = arith.constant 5 : i32
    %scan3A_5 = arith.addi %scan3A_3, %scan3A_4 : i32
    %scan3A_6 = arith.constant 1 : i32
    scf.for %scan3A_8 = %scan3A_3 to %scan3A_5 step %scan3A_6  : i32 {
      %eq3A = arith.constant 0 : i32
      %eq3A_9 = arith.cmpi eq, %scan3A_8, %eq3A : i32
      %mul3A_10 = arith.constant 8192 : i32
      %mul3A_11 = arith.muli %arg1, %mul3A_10 : i32
      %add3A_12 = arith.constant 0 : i32
      %add3A_13 = arith.addi %mul3A_11, %add3A_12 : i32
      "tpu.region"() ({
        %run_scoped3A = tpu.sem_alloc : memref<!tpu.dma_semaphore, #tpu.memory_space<semaphore_mem>>
        %dma_start3A_85 = tpu.memref_slice %arg9[%add3A_13] : memref<131072xf32, #tpu.memory_space<vmem_shared>> -> memref<4096xf32, #tpu.memory_space<vmem_shared>>
        %dma_start3A_86 = tpu.memref_slice %arg9[%add3A_13] : memref<131072xf32, #tpu.memory_space<vmem_shared>> -> memref<4096xf32, #tpu.memory_space<vmem_shared>>
        tpu.enqueue_dma source(%arg20 : memref<4096xf32, #tpu.memory_space<vmem>>) target(%dma_start3A_86 : memref<4096xf32, #tpu.memory_space<vmem_shared>>) target_semaphore(%run_scoped3A : memref<!tpu.dma_semaphore, #tpu.memory_space<semaphore_mem>>)
        %dma_wait3A_87 = tpu.memref_slice %arg9[%add3A_13] : memref<131072xf32, #tpu.memory_space<vmem_shared>> -> memref<4096xf32, #tpu.memory_space<vmem_shared>>
        %dma_wait3A_88 = tpu.memref_slice %arg9[%add3A_13] : memref<131072xf32, #tpu.memory_space<vmem_shared>> -> memref<4096xf32, #tpu.memory_space<vmem_shared>>
        tpu.wait_dma2 semaphore(%run_scoped3A : memref<!tpu.dma_semaphore, #tpu.memory_space<semaphore_mem>>) src(%arg20 : memref<4096xf32, #tpu.memory_space<vmem>>) dst(%dma_wait3A_88 : memref<4096xf32, #tpu.memory_space<vmem_shared>>)
        tpu.yield
      }) : () -> ()
      %mul3A_14 = arith.constant 8192 : i32
      %mul3A_15 = arith.muli %arg1, %mul3A_14 : i32
      %add3A_16 = arith.constant 4096 : i32
      %add3A_17 = arith.addi %mul3A_15, %add3A_16 : i32
      "tpu.region"() ({
        %run_scoped3A = tpu.sem_alloc : memref<!tpu.dma_semaphore, #tpu.memory_space<semaphore_mem>>
        %dma_start3A_85 = tpu.memref_slice %arg9[%add3A_17] : memref<131072xf32, #tpu.memory_space<vmem_shared>> -> memref<4096xf32, #tpu.memory_space<vmem_shared>>
        %dma_start3A_86 = tpu.memref_slice %arg9[%add3A_17] : memref<131072xf32, #tpu.memory_space<vmem_shared>> -> memref<4096xf32, #tpu.memory_space<vmem_shared>>
        tpu.enqueue_dma source(%arg20 : memref<4096xf32, #tpu.memory_space<vmem>>) target(%dma_start3A_86 : memref<4096xf32, #tpu.memory_space<vmem_shared>>) target_semaphore(%run_scoped3A : memref<!tpu.dma_semaphore, #tpu.memory_space<semaphore_mem>>)
        %dma_wait3A_87 = tpu.memref_slice %arg9[%add3A_17] : memref<131072xf32, #tpu.memory_space<vmem_shared>> -> memref<4096xf32, #tpu.memory_space<vmem_shared>>
        %dma_wait3A_88 = tpu.memref_slice %arg9[%add3A_17] : memref<131072xf32, #tpu.memory_space<vmem_shared>> -> memref<4096xf32, #tpu.memory_space<vmem_shared>>
        tpu.wait_dma2 semaphore(%run_scoped3A : memref<!tpu.dma_semaphore, #tpu.memory_space<semaphore_mem>>) src(%arg20 : memref<4096xf32, #tpu.memory_space<vmem>>) dst(%dma_wait3A_88 : memref<4096xf32, #tpu.memory_space<vmem_shared>>)
        tpu.yield
      }) : () -> ()
      %convert_element_type3A = arith.extui %eq3A_9 : i1 to i32
      %cond3A = arith.constant 0 : i32
      %cond3A_18 = arith.cmpi ne, %convert_element_type3A, %cond3A : i32
      scf.if %cond3A_18 {
        %mul3A_85 = arith.constant 8192 : i32
        %mul3A_86 = arith.muli %arg1, %mul3A_85 : i32
        %add3A_87 = arith.constant 0 : i32
        %add3A_88 = arith.addi %mul3A_86, %add3A_87 : i32
        "tpu.region"() ({
          %run_scoped3A = tpu.sem_alloc : memref<!tpu.dma_semaphore, #tpu.memory_space<semaphore_mem>>
          %dma_start3A_93 = tpu.memref_slice %arg10[%add3A_88] : memref<131072xf32, #tpu.memory_space<vmem_shared>> -> memref<4096xf32, #tpu.memory_space<vmem_shared>>
          %dma_start3A_94 = tpu.memref_slice %arg10[%add3A_88] : memref<131072xf32, #tpu.memory_space<vmem_shared>> -> memref<4096xf32, #tpu.memory_space<vmem_shared>>
          tpu.enqueue_dma source(%arg20 : memref<4096xf32, #tpu.memory_space<vmem>>) target(%dma_start3A_94 : memref<4096xf32, #tpu.memory_space<vmem_shared>>) target_semaphore(%run_scoped3A : memref<!tpu.dma_semaphore, #tpu.memory_space<semaphore_mem>>)
          %dma_wait3A_95 = tpu.memref_slice %arg10[%add3A_88] : memref<131072xf32, #tpu.memory_space<vmem_shared>> -> memref<4096xf32, #tpu.memory_space<vmem_shared>>
          %dma_wait3A_96 = tpu.memref_slice %arg10[%add3A_88] : memref<131072xf32, #tpu.memory_space<vmem_shared>> -> memref<4096xf32, #tpu.memory_space<vmem_shared>>
          tpu.wait_dma2 semaphore(%run_scoped3A : memref<!tpu.dma_semaphore, #tpu.memory_space<semaphore_mem>>) src(%arg20 : memref<4096xf32, #tpu.memory_space<vmem>>) dst(%dma_wait3A_96 : memref<4096xf32, #tpu.memory_space<vmem_shared>>)
          tpu.yield
        }) : () -> ()
        %mul3A_89 = arith.constant 8192 : i32
        %mul3A_90 = arith.muli %arg1, %mul3A_89 : i32
        %add3A_91 = arith.constant 4096 : i32
        %add3A_92 = arith.addi %mul3A_90, %add3A_91 : i32
        "tpu.region"() ({
          %run_scoped3A = tpu.sem_alloc : memref<!tpu.dma_semaphore, #tpu.memory_space<semaphore_mem>>
          %dma_start3A_93 = tpu.memref_slice %arg10[%add3A_92] : memref<131072xf32, #tpu.memory_space<vmem_shared>> -> memref<4096xf32, #tpu.memory_space<vmem_shared>>
          %dma_start3A_94 = tpu.memref_slice %arg10[%add3A_92] : memref<131072xf32, #tpu.memory_space<vmem_shared>> -> memref<4096xf32, #tpu.memory_space<vmem_shared>>
          tpu.enqueue_dma source(%arg20 : memref<4096xf32, #tpu.memory_space<vmem>>) target(%dma_start3A_94 : memref<4096xf32, #tpu.memory_space<vmem_shared>>) target_semaphore(%run_scoped3A : memref<!tpu.dma_semaphore, #tpu.memory_space<semaphore_mem>>)
          %dma_wait3A_95 = tpu.memref_slice %arg10[%add3A_92] : memref<131072xf32, #tpu.memory_space<vmem_shared>> -> memref<4096xf32, #tpu.memory_space<vmem_shared>>
          %dma_wait3A_96 = tpu.memref_slice %arg10[%add3A_92] : memref<131072xf32, #tpu.memory_space<vmem_shared>> -> memref<4096xf32, #tpu.memory_space<vmem_shared>>
          tpu.wait_dma2 semaphore(%run_scoped3A : memref<!tpu.dma_semaphore, #tpu.memory_space<semaphore_mem>>) src(%arg20 : memref<4096xf32, #tpu.memory_space<vmem>>) dst(%dma_wait3A_96 : memref<4096xf32, #tpu.memory_space<vmem_shared>>)
          tpu.yield
        }) : () -> ()
      } else {
      }
      %mul3A_19 = arith.constant 513000 : i32
      %mul3A_20 = arith.muli %scan3A_8, %mul3A_19 : i32
      %mul3A_21 = arith.constant 32064 : i32
      %mul3A_22 = arith.muli %arg1, %mul3A_21 : i32
      %add3A_23 = arith.addi %mul3A_20, %mul3A_22 : i32
      %multiple_of3A = tpu.assume_multiple %add3A_23, 8 : i32
      %lt3A = arith.constant 15 : i32
      %lt3A_24 = arith.cmpi slt, %arg1, %lt3A : i32
      %convert_element_type3A_25 = arith.extui %lt3A_24 : i1 to i32
      %cond3A_26 = arith.constant 0 : i32
      %cond3A_27 = arith.cmpi ne, %convert_element_type3A_25, %cond3A_26 : i32
      scf.if %cond3A_27 {
        %add3A_85 = arith.constant 0 : i32
        %add3A_86 = arith.addi %multiple_of3A, %add3A_85 : i32
        %multiple_of3A_87 = tpu.assume_multiple %add3A_86, 8 : i32
        "tpu.region"() ({
          %run_scoped3A = tpu.sem_alloc : memref<!tpu.dma_semaphore, #tpu.memory_space<semaphore_mem>>
          %dma_start3A_141 = arith.constant 0 : i32
          %dma_start3A_142 = tpu.memref_slice %arg18[%dma_start3A_141] : memref<7808xf32, #tpu.memory_space<vmem>> -> memref<4008xf32, #tpu.memory_space<vmem>>
          %dma_start3A_143 = tpu.memref_slice %arg2[%multiple_of3A_87] : memref<2565000xf32, #tpu.memory_space<hbm>> -> memref<4008xf32, #tpu.memory_space<hbm>>
          %dma_start3A_144 = arith.constant 0 : i32
          %dma_start3A_145 = tpu.memref_slice %arg18[%dma_start3A_144] : memref<7808xf32, #tpu.memory_space<vmem>> -> memref<4008xf32, #tpu.memory_space<vmem>>
          %dma_start3A_146 = tpu.memref_slice %arg2[%multiple_of3A_87] : memref<2565000xf32, #tpu.memory_space<hbm>> -> memref<4008xf32, #tpu.memory_space<hbm>>
          tpu.enqueue_dma source(%dma_start3A_146 : memref<4008xf32, #tpu.memory_space<hbm>>) target(%dma_start3A_145 : memref<4008xf32, #tpu.memory_space<vmem>>) target_semaphore(%run_scoped3A : memref<!tpu.dma_semaphore, #tpu.memory_space<semaphore_mem>>)
          %dma_wait3A_147 = arith.constant 0 : i32
          %dma_wait3A_148 = tpu.memref_slice %arg18[%dma_wait3A_147] : memref<7808xf32, #tpu.memory_space<vmem>> -> memref<4008xf32, #tpu.memory_space<vmem>>
          %dma_wait3A_149 = tpu.memref_slice %arg2[%multiple_of3A_87] : memref<2565000xf32, #tpu.memory_space<hbm>> -> memref<4008xf32, #tpu.memory_space<hbm>>
          %dma_wait3A_150 = arith.constant 0 : i32
          %dma_wait3A_151 = tpu.memref_slice %arg18[%dma_wait3A_150] : memref<7808xf32, #tpu.memory_space<vmem>> -> memref<4008xf32, #tpu.memory_space<vmem>>
          %dma_wait3A_152 = tpu.memref_slice %arg2[%multiple_of3A_87] : memref<2565000xf32, #tpu.memory_space<hbm>> -> memref<4008xf32, #tpu.memory_space<hbm>>
          tpu.wait_dma2 semaphore(%run_scoped3A : memref<!tpu.dma_semaphore, #tpu.memory_space<semaphore_mem>>) src(%dma_wait3A_152 : memref<4008xf32, #tpu.memory_space<hbm>>) dst(%dma_wait3A_151 : memref<4008xf32, #tpu.memory_space<vmem>>)
          tpu.yield
        }) : () -> ()
        %mul3A_88 = arith.constant 32064 : i32
        %mul3A_89 = arith.muli %arg1, %mul3A_88 : i32
        %add3A_90 = arith.constant 0 : i32
        %add3A_91 = arith.addi %mul3A_89, %add3A_90 : i32
        "tpu.region"() ({
          %run_scoped3A = tpu.sem_alloc : memref<!tpu.dma_semaphore, #tpu.memory_space<semaphore_mem>>
          %dma_start3A_141 = arith.constant 0 : i32
          %dma_start3A_142 = tpu.memref_slice %arg18[%dma_start3A_141] : memref<7808xf32, #tpu.memory_space<vmem>> -> memref<4008xf32, #tpu.memory_space<vmem>>
          %dma_start3A_143 = tpu.memref_slice %arg8[%add3A_91] : memref<513024xf32, #tpu.memory_space<vmem_shared>> -> memref<4008xf32, #tpu.memory_space<vmem_shared>>
          %dma_start3A_144 = tpu.memref_slice %arg8[%add3A_91] : memref<513024xf32, #tpu.memory_space<vmem_shared>> -> memref<4008xf32, #tpu.memory_space<vmem_shared>>
          %dma_start3A_145 = arith.constant 0 : i32
          %dma_start3A_146 = tpu.memref_slice %arg18[%dma_start3A_145] : memref<7808xf32, #tpu.memory_space<vmem>> -> memref<4008xf32, #tpu.memory_space<vmem>>
          tpu.enqueue_dma source(%dma_start3A_146 : memref<4008xf32, #tpu.memory_space<vmem>>) target(%dma_start3A_144 : memref<4008xf32, #tpu.memory_space<vmem_shared>>) target_semaphore(%run_scoped3A : memref<!tpu.dma_semaphore, #tpu.memory_space<semaphore_mem>>)
          %dma_wait3A_147 = arith.constant 0 : i32
          %dma_wait3A_148 = tpu.memref_slice %arg18[%dma_wait3A_147] : memref<7808xf32, #tpu.memory_space<vmem>> -> memref<4008xf32, #tpu.memory_space<vmem>>
          %dma_wait3A_149 = tpu.memref_slice %arg8[%add3A_91] : memref<513024xf32, #tpu.memory_space<vmem_shared>> -> memref<4008xf32, #tpu.memory_space<vmem_shared>>
          %dma_wait3A_150 = tpu.memref_slice %arg8[%add3A_91] : memref<513024xf32, #tpu.memory_space<vmem_shared>> -> memref<4008xf32, #tpu.memory_space<vmem_shared>>
          %dma_wait3A_151 = arith.constant 0 : i32
          %dma_wait3A_152 = tpu.memref_slice %arg18[%dma_wait3A_151] : memref<7808xf32, #tpu.memory_space<vmem>> -> memref<4008xf32, #tpu.memory_space<vmem>>
          tpu.wait_dma2 semaphore(%run_scoped3A : memref<!tpu.dma_semaphore, #tpu.memory_space<semaphore_mem>>) src(%dma_wait3A_152 : memref<4008xf32, #tpu.memory_space<vmem>>) dst(%dma_wait3A_150 : memref<4008xf32, #tpu.memory_space<vmem_shared>>)
          tpu.yield
        }) : () -> ()
        %add3A_92 = arith.constant 4008 : i32
        %add3A_93 = arith.addi %multiple_of3A, %add3A_92 : i32
        %multiple_of3A_94 = tpu.assume_multiple %add3A_93, 8 : i32
        "tpu.region"() ({
          %run_scoped3A = tpu.sem_alloc : memref<!tpu.dma_semaphore, #tpu.memory_space<semaphore_mem>>
          %dma_start3A_141 = arith.constant 0 : i32
          %dma_start3A_142 = tpu.memref_slice %arg18[%dma_start3A_141] : memref<7808xf32, #tpu.memory_space<vmem>> -> memref<4008xf32, #tpu.memory_space<vmem>>
          %dma_start3A_143 = tpu.memref_slice %arg2[%multiple_of3A_94] : memref<2565000xf32, #tpu.memory_space<hbm>> -> memref<4008xf32, #tpu.memory_space<hbm>>
          %dma_start3A_144 = arith.constant 0 : i32
          %dma_start3A_145 = tpu.memref_slice %arg18[%dma_start3A_144] : memref<7808xf32, #tpu.memory_space<vmem>> -> memref<4008xf32, #tpu.memory_space<vmem>>
          %dma_start3A_146 = tpu.memref_slice %arg2[%multiple_of3A_94] : memref<2565000xf32, #tpu.memory_space<hbm>> -> memref<4008xf32, #tpu.memory_space<hbm>>
          tpu.enqueue_dma source(%dma_start3A_146 : memref<4008xf32, #tpu.memory_space<hbm>>) target(%dma_start3A_145 : memref<4008xf32, #tpu.memory_space<vmem>>) target_semaphore(%run_scoped3A : memref<!tpu.dma_semaphore, #tpu.memory_space<semaphore_mem>>)
          %dma_wait3A_147 = arith.constant 0 : i32
          %dma_wait3A_148 = tpu.memref_slice %arg18[%dma_wait3A_147] : memref<7808xf32, #tpu.memory_space<vmem>> -> memref<4008xf32, #tpu.memory_space<vmem>>
          %dma_wait3A_149 = tpu.memref_slice %arg2[%multiple_of3A_94] : memref<2565000xf32, #tpu.memory_space<hbm>> -> memref<4008xf32, #tpu.memory_space<hbm>>
          %dma_wait3A_150 = arith.constant 0 : i32
          %dma_wait3A_151 = tpu.memref_slice %arg18[%dma_wait3A_150] : memref<7808xf32, #tpu.memory_space<vmem>> -> memref<4008xf32, #tpu.memory_space<vmem>>
          %dma_wait3A_152 = tpu.memref_slice %arg2[%multiple_of3A_94] : memref<2565000xf32, #tpu.memory_space<hbm>> -> memref<4008xf32, #tpu.memory_space<hbm>>
          tpu.wait_dma2 semaphore(%run_scoped3A : memref<!tpu.dma_semaphore, #tpu.memory_space<semaphore_mem>>) src(%dma_wait3A_152 : memref<4008xf32, #tpu.memory_space<hbm>>) dst(%dma_wait3A_151 : memref<4008xf32, #tpu.memory_space<vmem>>)
          tpu.yield
        }) : () -> ()
        %mul3A_95 = arith.constant 32064 : i32
        %mul3A_96 = arith.muli %arg1, %mul3A_95 : i32
        %add3A_97 = arith.constant 4008 : i32
        %add3A_98 = arith.addi %mul3A_96, %add3A_97 : i32
        "tpu.region"() ({
          %run_scoped3A = tpu.sem_alloc : memref<!tpu.dma_semaphore, #tpu.memory_space<semaphore_mem>>
          %dma_start3A_141 = arith.constant 0 : i32
          %dma_start3A_142 = tpu.memref_slice %arg18[%dma_start3A_141] : memref<7808xf32, #tpu.memory_space<vmem>> -> memref<4008xf32, #tpu.memory_space<vmem>>
          %dma_start3A_143 = tpu.memref_slice %arg8[%add3A_98] : memref<513024xf32, #tpu.memory_space<vmem_shared>> -> memref<4008xf32, #tpu.memory_space<vmem_shared>>
          %dma_start3A_144 = tpu.memref_slice %arg8[%add3A_98] : memref<513024xf32, #tpu.memory_space<vmem_shared>> -> memref<4008xf32, #tpu.memory_space<vmem_shared>>
          %dma_start3A_145 = arith.constant 0 : i32
          %dma_start3A_146 = tpu.memref_slice %arg18[%dma_start3A_145] : memref<7808xf32, #tpu.memory_space<vmem>> -> memref<4008xf32, #tpu.memory_space<vmem>>
          tpu.enqueue_dma source(%dma_start3A_146 : memref<4008xf32, #tpu.memory_space<vmem>>) target(%dma_start3A_144 : memref<4008xf32, #tpu.memory_space<vmem_shared>>) target_semaphore(%run_scoped3A : memref<!tpu.dma_semaphore, #tpu.memory_space<semaphore_mem>>)
          %dma_wait3A_147 = arith.constant 0 : i32
          %dma_wait3A_148 = tpu.memref_slice %arg18[%dma_wait3A_147] : memref<7808xf32, #tpu.memory_space<vmem>> -> memref<4008xf32, #tpu.memory_space<vmem>>
          %dma_wait3A_149 = tpu.memref_slice %arg8[%add3A_98] : memref<513024xf32, #tpu.memory_space<vmem_shared>> -> memref<4008xf32, #tpu.memory_space<vmem_shared>>
          %dma_wait3A_150 = tpu.memref_slice %arg8[%add3A_98] : memref<513024xf32, #tpu.memory_space<vmem_shared>> -> memref<4008xf32, #tpu.memory_space<vmem_shared>>
          %dma_wait3A_151 = arith.constant 0 : i32
          %dma_wait3A_152 = tpu.memref_slice %arg18[%dma_wait3A_151] : memref<7808xf32, #tpu.memory_space<vmem>> -> memref<4008xf32, #tpu.memory_space<vmem>>
          tpu.wait_dma2 semaphore(%run_scoped3A : memref<!tpu.dma_semaphore, #tpu.memory_space<semaphore_mem>>) src(%dma_wait3A_152 : memref<4008xf32, #tpu.memory_space<vmem>>) dst(%dma_wait3A_150 : memref<4008xf32, #tpu.memory_space<vmem_shared>>)
          tpu.yield
        }) : () -> ()
        %add3A_99 = arith.constant 8016 : i32
        %add3A_100 = arith.addi %multiple_of3A, %add3A_99 : i32
        %multiple_of3A_101 = tpu.assume_multiple %add3A_100, 8 : i32
        "tpu.region"() ({
          %run_scoped3A = tpu.sem_alloc : memref<!tpu.dma_semaphore, #tpu.memory_space<semaphore_mem>>
          %dma_start3A_141 = arith.constant 0 : i32
          %dma_start3A_142 = tpu.memref_slice %arg18[%dma_start3A_141] : memref<7808xf32, #tpu.memory_space<vmem>> -> memref<4008xf32, #tpu.memory_space<vmem>>
          %dma_start3A_143 = tpu.memref_slice %arg2[%multiple_of3A_101] : memref<2565000xf32, #tpu.memory_space<hbm>> -> memref<4008xf32, #tpu.memory_space<hbm>>
          %dma_start3A_144 = arith.constant 0 : i32
          %dma_start3A_145 = tpu.memref_slice %arg18[%dma_start3A_144] : memref<7808xf32, #tpu.memory_space<vmem>> -> memref<4008xf32, #tpu.memory_space<vmem>>
          %dma_start3A_146 = tpu.memref_slice %arg2[%multiple_of3A_101] : memref<2565000xf32, #tpu.memory_space<hbm>> -> memref<4008xf32, #tpu.memory_space<hbm>>
          tpu.enqueue_dma source(%dma_start3A_146 : memref<4008xf32, #tpu.memory_space<hbm>>) target(%dma_start3A_145 : memref<4008xf32, #tpu.memory_space<vmem>>) target_semaphore(%run_scoped3A : memref<!tpu.dma_semaphore, #tpu.memory_space<semaphore_mem>>)
          %dma_wait3A_147 = arith.constant 0 : i32
          %dma_wait3A_148 = tpu.memref_slice %arg18[%dma_wait3A_147] : memref<7808xf32, #tpu.memory_space<vmem>> -> memref<4008xf32, #tpu.memory_space<vmem>>
          %dma_wait3A_149 = tpu.memref_slice %arg2[%multiple_of3A_101] : memref<2565000xf32, #tpu.memory_space<hbm>> -> memref<4008xf32, #tpu.memory_space<hbm>>
          %dma_wait3A_150 = arith.constant 0 : i32
          %dma_wait3A_151 = tpu.memref_slice %arg18[%dma_wait3A_150] : memref<7808xf32, #tpu.memory_space<vmem>> -> memref<4008xf32, #tpu.memory_space<vmem>>
          %dma_wait3A_152 = tpu.memref_slice %arg2[%multiple_of3A_101] : memref<2565000xf32, #tpu.memory_space<hbm>> -> memref<4008xf32, #tpu.memory_space<hbm>>
          tpu.wait_dma2 semaphore(%run_scoped3A : memref<!tpu.dma_semaphore, #tpu.memory_space<semaphore_mem>>) src(%dma_wait3A_152 : memref<4008xf32, #tpu.memory_space<hbm>>) dst(%dma_wait3A_151 : memref<4008xf32, #tpu.memory_space<vmem>>)
          tpu.yield
        }) : () -> ()
        %mul3A_102 = arith.constant 32064 : i32
        %mul3A_103 = arith.muli %arg1, %mul3A_102 : i32
        %add3A_104 = arith.constant 8016 : i32
        %add3A_105 = arith.addi %mul3A_103, %add3A_104 : i32
        "tpu.region"() ({
          %run_scoped3A = tpu.sem_alloc : memref<!tpu.dma_semaphore, #tpu.memory_space<semaphore_mem>>
          %dma_start3A_141 = arith.constant 0 : i32
          %dma_start3A_142 = tpu.memref_slice %arg18[%dma_start3A_141] : memref<7808xf32, #tpu.memory_space<vmem>> -> memref<4008xf32, #tpu.memory_space<vmem>>
          %dma_start3A_143 = tpu.memref_slice %arg8[%add3A_105] : memref<513024xf32, #tpu.memory_space<vmem_shared>> -> memref<4008xf32, #tpu.memory_space<vmem_shared>>
          %dma_start3A_144 = tpu.memref_slice %arg8[%add3A_105] : memref<513024xf32, #tpu.memory_space<vmem_shared>> -> memref<4008xf32, #tpu.memory_space<vmem_shared>>
          %dma_start3A_145 = arith.constant 0 : i32
          %dma_start3A_146 = tpu.memref_slice %arg18[%dma_start3A_145] : memref<7808xf32, #tpu.memory_space<vmem>> -> memref<4008xf32, #tpu.memory_space<vmem>>
          tpu.enqueue_dma source(%dma_start3A_146 : memref<4008xf32, #tpu.memory_space<vmem>>) target(%dma_start3A_144 : memref<4008xf32, #tpu.memory_space<vmem_shared>>) target_semaphore(%run_scoped3A : memref<!tpu.dma_semaphore, #tpu.memory_space<semaphore_mem>>)
          %dma_wait3A_147 = arith.constant 0 : i32
          %dma_wait3A_148 = tpu.memref_slice %arg18[%dma_wait3A_147] : memref<7808xf32, #tpu.memory_space<vmem>> -> memref<4008xf32, #tpu.memory_space<vmem>>
          %dma_wait3A_149 = tpu.memref_slice %arg8[%add3A_105] : memref<513024xf32, #tpu.memory_space<vmem_shared>> -> memref<4008xf32, #tpu.memory_space<vmem_shared>>
          %dma_wait3A_150 = tpu.memref_slice %arg8[%add3A_105] : memref<513024xf32, #tpu.memory_space<vmem_shared>> -> memref<4008xf32, #tpu.memory_space<vmem_shared>>
          %dma_wait3A_151 = arith.constant 0 : i32
          %dma_wait3A_152 = tpu.memref_slice %arg18[%dma_wait3A_151] : memref<7808xf32, #tpu.memory_space<vmem>> -> memref<4008xf32, #tpu.memory_space<vmem>>
          tpu.wait_dma2 semaphore(%run_scoped3A : memref<!tpu.dma_semaphore, #tpu.memory_space<semaphore_mem>>) src(%dma_wait3A_152 : memref<4008xf32, #tpu.memory_space<vmem>>) dst(%dma_wait3A_150 : memref<4008xf32, #tpu.memory_space<vmem_shared>>)
          tpu.yield
        }) : () -> ()
        %add3A_106 = arith.constant 12024 : i32
        %add3A_107 = arith.addi %multiple_of3A, %add3A_106 : i32
        %multiple_of3A_108 = tpu.assume_multiple %add3A_107, 8 : i32
        "tpu.region"() ({
          %run_scoped3A = tpu.sem_alloc : memref<!tpu.dma_semaphore, #tpu.memory_space<semaphore_mem>>
          %dma_start3A_141 = arith.constant 0 : i32
          %dma_start3A_142 = tpu.memref_slice %arg18[%dma_start3A_141] : memref<7808xf32, #tpu.memory_space<vmem>> -> memref<4008xf32, #tpu.memory_space<vmem>>
          %dma_start3A_143 = tpu.memref_slice %arg2[%multiple_of3A_108] : memref<2565000xf32, #tpu.memory_space<hbm>> -> memref<4008xf32, #tpu.memory_space<hbm>>
          %dma_start3A_144 = arith.constant 0 : i32
          %dma_start3A_145 = tpu.memref_slice %arg18[%dma_start3A_144] : memref<7808xf32, #tpu.memory_space<vmem>> -> memref<4008xf32, #tpu.memory_space<vmem>>
          %dma_start3A_146 = tpu.memref_slice %arg2[%multiple_of3A_108] : memref<2565000xf32, #tpu.memory_space<hbm>> -> memref<4008xf32, #tpu.memory_space<hbm>>
          tpu.enqueue_dma source(%dma_start3A_146 : memref<4008xf32, #tpu.memory_space<hbm>>) target(%dma_start3A_145 : memref<4008xf32, #tpu.memory_space<vmem>>) target_semaphore(%run_scoped3A : memref<!tpu.dma_semaphore, #tpu.memory_space<semaphore_mem>>)
          %dma_wait3A_147 = arith.constant 0 : i32
          %dma_wait3A_148 = tpu.memref_slice %arg18[%dma_wait3A_147] : memref<7808xf32, #tpu.memory_space<vmem>> -> memref<4008xf32, #tpu.memory_space<vmem>>
          %dma_wait3A_149 = tpu.memref_slice %arg2[%multiple_of3A_108] : memref<2565000xf32, #tpu.memory_space<hbm>> -> memref<4008xf32, #tpu.memory_space<hbm>>
          %dma_wait3A_150 = arith.constant 0 : i32
          %dma_wait3A_151 = tpu.memref_slice %arg18[%dma_wait3A_150] : memref<7808xf32, #tpu.memory_space<vmem>> -> memref<4008xf32, #tpu.memory_space<vmem>>
          %dma_wait3A_152 = tpu.memref_slice %arg2[%multiple_of3A_108] : memref<2565000xf32, #tpu.memory_space<hbm>> -> memref<4008xf32, #tpu.memory_space<hbm>>
          tpu.wait_dma2 semaphore(%run_scoped3A : memref<!tpu.dma_semaphore, #tpu.memory_space<semaphore_mem>>) src(%dma_wait3A_152 : memref<4008xf32, #tpu.memory_space<hbm>>) dst(%dma_wait3A_151 : memref<4008xf32, #tpu.memory_space<vmem>>)
          tpu.yield
        }) : () -> ()
        %mul3A_109 = arith.constant 32064 : i32
        %mul3A_110 = arith.muli %arg1, %mul3A_109 : i32
        %add3A_111 = arith.constant 12024 : i32
        %add3A_112 = arith.addi %mul3A_110, %add3A_111 : i32
        "tpu.region"() ({
          %run_scoped3A = tpu.sem_alloc : memref<!tpu.dma_semaphore, #tpu.memory_space<semaphore_mem>>
          %dma_start3A_141 = arith.constant 0 : i32
          %dma_start3A_142 = tpu.memref_slice %arg18[%dma_start3A_141] : memref<7808xf32, #tpu.memory_space<vmem>> -> memref<4008xf32, #tpu.memory_space<vmem>>
          %dma_start3A_143 = tpu.memref_slice %arg8[%add3A_112] : memref<513024xf32, #tpu.memory_space<vmem_shared>> -> memref<4008xf32, #tpu.memory_space<vmem_shared>>
          %dma_start3A_144 = tpu.memref_slice %arg8[%add3A_112] : memref<513024xf32, #tpu.memory_space<vmem_shared>> -> memref<4008xf32, #tpu.memory_space<vmem_shared>>
          %dma_start3A_145 = arith.constant 0 : i32
          %dma_start3A_146 = tpu.memref_slice %arg18[%dma_start3A_145] : memref<7808xf32, #tpu.memory_space<vmem>> -> memref<4008xf32, #tpu.memory_space<vmem>>
          tpu.enqueue_dma source(%dma_start3A_146 : memref<4008xf32, #tpu.memory_space<vmem>>) target(%dma_start3A_144 : memref<4008xf32, #tpu.memory_space<vmem_shared>>) target_semaphore(%run_scoped3A : memref<!tpu.dma_semaphore, #tpu.memory_space<semaphore_mem>>)
          %dma_wait3A_147 = arith.constant 0 : i32
          %dma_wait3A_148 = tpu.memref_slice %arg18[%dma_wait3A_147] : memref<7808xf32, #tpu.memory_space<vmem>> -> memref<4008xf32, #tpu.memory_space<vmem>>
          %dma_wait3A_149 = tpu.memref_slice %arg8[%add3A_112] : memref<513024xf32, #tpu.memory_space<vmem_shared>> -> memref<4008xf32, #tpu.memory_space<vmem_shared>>
          %dma_wait3A_150 = tpu.memref_slice %arg8[%add3A_112] : memref<513024xf32, #tpu.memory_space<vmem_shared>> -> memref<4008xf32, #tpu.memory_space<vmem_shared>>
          %dma_wait3A_151 = arith.constant 0 : i32
          %dma_wait3A_152 = tpu.memref_slice %arg18[%dma_wait3A_151] : memref<7808xf32, #tpu.memory_space<vmem>> -> memref<4008xf32, #tpu.memory_space<vmem>>
          tpu.wait_dma2 semaphore(%run_scoped3A : memref<!tpu.dma_semaphore, #tpu.memory_space<semaphore_mem>>) src(%dma_wait3A_152 : memref<4008xf32, #tpu.memory_space<vmem>>) dst(%dma_wait3A_150 : memref<4008xf32, #tpu.memory_space<vmem_shared>>)
          tpu.yield
        }) : () -> ()
        %add3A_113 = arith.constant 16032 : i32
        %add3A_114 = arith.addi %multiple_of3A, %add3A_113 : i32
        %multiple_of3A_115 = tpu.assume_multiple %add3A_114, 8 : i32
        "tpu.region"() ({
          %run_scoped3A = tpu.sem_alloc : memref<!tpu.dma_semaphore, #tpu.memory_space<semaphore_mem>>
          %dma_start3A_141 = arith.constant 0 : i32
          %dma_start3A_142 = tpu.memref_slice %arg18[%dma_start3A_141] : memref<7808xf32, #tpu.memory_space<vmem>> -> memref<4008xf32, #tpu.memory_space<vmem>>
          %dma_start3A_143 = tpu.memref_slice %arg2[%multiple_of3A_115] : memref<2565000xf32, #tpu.memory_space<hbm>> -> memref<4008xf32, #tpu.memory_space<hbm>>
          %dma_start3A_144 = arith.constant 0 : i32
          %dma_start3A_145 = tpu.memref_slice %arg18[%dma_start3A_144] : memref<7808xf32, #tpu.memory_space<vmem>> -> memref<4008xf32, #tpu.memory_space<vmem>>
          %dma_start3A_146 = tpu.memref_slice %arg2[%multiple_of3A_115] : memref<2565000xf32, #tpu.memory_space<hbm>> -> memref<4008xf32, #tpu.memory_space<hbm>>
          tpu.enqueue_dma source(%dma_start3A_146 : memref<4008xf32, #tpu.memory_space<hbm>>) target(%dma_start3A_145 : memref<4008xf32, #tpu.memory_space<vmem>>) target_semaphore(%run_scoped3A : memref<!tpu.dma_semaphore, #tpu.memory_space<semaphore_mem>>)
          %dma_wait3A_147 = arith.constant 0 : i32
          %dma_wait3A_148 = tpu.memref_slice %arg18[%dma_wait3A_147] : memref<7808xf32, #tpu.memory_space<vmem>> -> memref<4008xf32, #tpu.memory_space<vmem>>
          %dma_wait3A_149 = tpu.memref_slice %arg2[%multiple_of3A_115] : memref<2565000xf32, #tpu.memory_space<hbm>> -> memref<4008xf32, #tpu.memory_space<hbm>>
          %dma_wait3A_150 = arith.constant 0 : i32
          %dma_wait3A_151 = tpu.memref_slice %arg18[%dma_wait3A_150] : memref<7808xf32, #tpu.memory_space<vmem>> -> memref<4008xf32, #tpu.memory_space<vmem>>
          %dma_wait3A_152 = tpu.memref_slice %arg2[%multiple_of3A_115] : memref<2565000xf32, #tpu.memory_space<hbm>> -> memref<4008xf32, #tpu.memory_space<hbm>>
          tpu.wait_dma2 semaphore(%run_scoped3A : memref<!tpu.dma_semaphore, #tpu.memory_space<semaphore_mem>>) src(%dma_wait3A_152 : memref<4008xf32, #tpu.memory_space<hbm>>) dst(%dma_wait3A_151 : memref<4008xf32, #tpu.memory_space<vmem>>)
          tpu.yield
        }) : () -> ()
        %mul3A_116 = arith.constant 32064 : i32
        %mul3A_117 = arith.muli %arg1, %mul3A_116 : i32
        %add3A_118 = arith.constant 16032 : i32
        %add3A_119 = arith.addi %mul3A_117, %add3A_118 : i32
        "tpu.region"() ({
          %run_scoped3A = tpu.sem_alloc : memref<!tpu.dma_semaphore, #tpu.memory_space<semaphore_mem>>
          %dma_start3A_141 = arith.constant 0 : i32
          %dma_start3A_142 = tpu.memref_slice %arg18[%dma_start3A_141] : memref<7808xf32, #tpu.memory_space<vmem>> -> memref<4008xf32, #tpu.memory_space<vmem>>
          %dma_start3A_143 = tpu.memref_slice %arg8[%add3A_119] : memref<513024xf32, #tpu.memory_space<vmem_shared>> -> memref<4008xf32, #tpu.memory_space<vmem_shared>>
          %dma_start3A_144 = tpu.memref_slice %arg8[%add3A_119] : memref<513024xf32, #tpu.memory_space<vmem_shared>> -> memref<4008xf32, #tpu.memory_space<vmem_shared>>
          %dma_start3A_145 = arith.constant 0 : i32
          %dma_start3A_146 = tpu.memref_slice %arg18[%dma_start3A_145] : memref<7808xf32, #tpu.memory_space<vmem>> -> memref<4008xf32, #tpu.memory_space<vmem>>
          tpu.enqueue_dma source(%dma_start3A_146 : memref<4008xf32, #tpu.memory_space<vmem>>) target(%dma_start3A_144 : memref<4008xf32, #tpu.memory_space<vmem_shared>>) target_semaphore(%run_scoped3A : memref<!tpu.dma_semaphore, #tpu.memory_space<semaphore_mem>>)
          %dma_wait3A_147 = arith.constant 0 : i32
          %dma_wait3A_148 = tpu.memref_slice %arg18[%dma_wait3A_147] : memref<7808xf32, #tpu.memory_space<vmem>> -> memref<4008xf32, #tpu.memory_space<vmem>>
          %dma_wait3A_149 = tpu.memref_slice %arg8[%add3A_119] : memref<513024xf32, #tpu.memory_space<vmem_shared>> -> memref<4008xf32, #tpu.memory_space<vmem_shared>>
          %dma_wait3A_150 = tpu.memref_slice %arg8[%add3A_119] : memref<513024xf32, #tpu.memory_space<vmem_shared>> -> memref<4008xf32, #tpu.memory_space<vmem_shared>>
          %dma_wait3A_151 = arith.constant 0 : i32
          %dma_wait3A_152 = tpu.memref_slice %arg18[%dma_wait3A_151] : memref<7808xf32, #tpu.memory_space<vmem>> -> memref<4008xf32, #tpu.memory_space<vmem>>
          tpu.wait_dma2 semaphore(%run_scoped3A : memref<!tpu.dma_semaphore, #tpu.memory_space<semaphore_mem>>) src(%dma_wait3A_152 : memref<4008xf32, #tpu.memory_space<vmem>>) dst(%dma_wait3A_150 : memref<4008xf32, #tpu.memory_space<vmem_shared>>)
          tpu.yield
        }) : () -> ()
        %add3A_120 = arith.constant 20040 : i32
        %add3A_121 = arith.addi %multiple_of3A, %add3A_120 : i32
        %multiple_of3A_122 = tpu.assume_multiple %add3A_121, 8 : i32
        "tpu.region"() ({
          %run_scoped3A = tpu.sem_alloc : memref<!tpu.dma_semaphore, #tpu.memory_space<semaphore_mem>>
          %dma_start3A_141 = arith.constant 0 : i32
          %dma_start3A_142 = tpu.memref_slice %arg18[%dma_start3A_141] : memref<7808xf32, #tpu.memory_space<vmem>> -> memref<4008xf32, #tpu.memory_space<vmem>>
          %dma_start3A_143 = tpu.memref_slice %arg2[%multiple_of3A_122] : memref<2565000xf32, #tpu.memory_space<hbm>> -> memref<4008xf32, #tpu.memory_space<hbm>>
          %dma_start3A_144 = arith.constant 0 : i32
          %dma_start3A_145 = tpu.memref_slice %arg18[%dma_start3A_144] : memref<7808xf32, #tpu.memory_space<vmem>> -> memref<4008xf32, #tpu.memory_space<vmem>>
          %dma_start3A_146 = tpu.memref_slice %arg2[%multiple_of3A_122] : memref<2565000xf32, #tpu.memory_space<hbm>> -> memref<4008xf32, #tpu.memory_space<hbm>>
          tpu.enqueue_dma source(%dma_start3A_146 : memref<4008xf32, #tpu.memory_space<hbm>>) target(%dma_start3A_145 : memref<4008xf32, #tpu.memory_space<vmem>>) target_semaphore(%run_scoped3A : memref<!tpu.dma_semaphore, #tpu.memory_space<semaphore_mem>>)
          %dma_wait3A_147 = arith.constant 0 : i32
          %dma_wait3A_148 = tpu.memref_slice %arg18[%dma_wait3A_147] : memref<7808xf32, #tpu.memory_space<vmem>> -> memref<4008xf32, #tpu.memory_space<vmem>>
          %dma_wait3A_149 = tpu.memref_slice %arg2[%multiple_of3A_122] : memref<2565000xf32, #tpu.memory_space<hbm>> -> memref<4008xf32, #tpu.memory_space<hbm>>
          %dma_wait3A_150 = arith.constant 0 : i32
          %dma_wait3A_151 = tpu.memref_slice %arg18[%dma_wait3A_150] : memref<7808xf32, #tpu.memory_space<vmem>> -> memref<4008xf32, #tpu.memory_space<vmem>>
          %dma_wait3A_152 = tpu.memref_slice %arg2[%multiple_of3A_122] : memref<2565000xf32, #tpu.memory_space<hbm>> -> memref<4008xf32, #tpu.memory_space<hbm>>
          tpu.wait_dma2 semaphore(%run_scoped3A : memref<!tpu.dma_semaphore, #tpu.memory_space<semaphore_mem>>) src(%dma_wait3A_152 : memref<4008xf32, #tpu.memory_space<hbm>>) dst(%dma_wait3A_151 : memref<4008xf32, #tpu.memory_space<vmem>>)
          tpu.yield
        }) : () -> ()
        %mul3A_123 = arith.constant 32064 : i32
        %mul3A_124 = arith.muli %arg1, %mul3A_123 : i32
        %add3A_125 = arith.constant 20040 : i32
        %add3A_126 = arith.addi %mul3A_124, %add3A_125 : i32
        "tpu.region"() ({
          %run_scoped3A = tpu.sem_alloc : memref<!tpu.dma_semaphore, #tpu.memory_space<semaphore_mem>>
          %dma_start3A_141 = arith.constant 0 : i32
          %dma_start3A_142 = tpu.memref_slice %arg18[%dma_start3A_141] : memref<7808xf32, #tpu.memory_space<vmem>> -> memref<4008xf32, #tpu.memory_space<vmem>>
          %dma_start3A_143 = tpu.memref_slice %arg8[%add3A_126] : memref<513024xf32, #tpu.memory_space<vmem_shared>> -> memref<4008xf32, #tpu.memory_space<vmem_shared>>
          %dma_start3A_144 = tpu.memref_slice %arg8[%add3A_126] : memref<513024xf32, #tpu.memory_space<vmem_shared>> -> memref<4008xf32, #tpu.memory_space<vmem_shared>>
          %dma_start3A_145 = arith.constant 0 : i32
          %dma_start3A_146 = tpu.memref_slice %arg18[%dma_start3A_145] : memref<7808xf32, #tpu.memory_space<vmem>> -> memref<4008xf32, #tpu.memory_space<vmem>>
          tpu.enqueue_dma source(%dma_start3A_146 : memref<4008xf32, #tpu.memory_space<vmem>>) target(%dma_start3A_144 : memref<4008xf32, #tpu.memory_space<vmem_shared>>) target_semaphore(%run_scoped3A : memref<!tpu.dma_semaphore, #tpu.memory_space<semaphore_mem>>)
          %dma_wait3A_147 = arith.constant 0 : i32
          %dma_wait3A_148 = tpu.memref_slice %arg18[%dma_wait3A_147] : memref<7808xf32, #tpu.memory_space<vmem>> -> memref<4008xf32, #tpu.memory_space<vmem>>
          %dma_wait3A_149 = tpu.memref_slice %arg8[%add3A_126] : memref<513024xf32, #tpu.memory_space<vmem_shared>> -> memref<4008xf32, #tpu.memory_space<vmem_shared>>
          %dma_wait3A_150 = tpu.memref_slice %arg8[%add3A_126] : memref<513024xf32, #tpu.memory_space<vmem_shared>> -> memref<4008xf32, #tpu.memory_space<vmem_shared>>
          %dma_wait3A_151 = arith.constant 0 : i32
          %dma_wait3A_152 = tpu.memref_slice %arg18[%dma_wait3A_151] : memref<7808xf32, #tpu.memory_space<vmem>> -> memref<4008xf32, #tpu.memory_space<vmem>>
          tpu.wait_dma2 semaphore(%run_scoped3A : memref<!tpu.dma_semaphore, #tpu.memory_space<semaphore_mem>>) src(%dma_wait3A_152 : memref<4008xf32, #tpu.memory_space<vmem>>) dst(%dma_wait3A_150 : memref<4008xf32, #tpu.memory_space<vmem_shared>>)
          tpu.yield
        }) : () -> ()
        %add3A_127 = arith.constant 24048 : i32
        %add3A_128 = arith.addi %multiple_of3A, %add3A_127 : i32
        %multiple_of3A_129 = tpu.assume_multiple %add3A_128, 8 : i32
        "tpu.region"() ({
          %run_scoped3A = tpu.sem_alloc : memref<!tpu.dma_semaphore, #tpu.memory_space<semaphore_mem>>
          %dma_start3A_141 = arith.constant 0 : i32
          %dma_start3A_142 = tpu.memref_slice %arg18[%dma_start3A_141] : memref<7808xf32, #tpu.memory_space<vmem>> -> memref<4008xf32, #tpu.memory_space<vmem>>
          %dma_start3A_143 = tpu.memref_slice %arg2[%multiple_of3A_129] : memref<2565000xf32, #tpu.memory_space<hbm>> -> memref<4008xf32, #tpu.memory_space<hbm>>
          %dma_start3A_144 = arith.constant 0 : i32
          %dma_start3A_145 = tpu.memref_slice %arg18[%dma_start3A_144] : memref<7808xf32, #tpu.memory_space<vmem>> -> memref<4008xf32, #tpu.memory_space<vmem>>
          %dma_start3A_146 = tpu.memref_slice %arg2[%multiple_of3A_129] : memref<2565000xf32, #tpu.memory_space<hbm>> -> memref<4008xf32, #tpu.memory_space<hbm>>
          tpu.enqueue_dma source(%dma_start3A_146 : memref<4008xf32, #tpu.memory_space<hbm>>) target(%dma_start3A_145 : memref<4008xf32, #tpu.memory_space<vmem>>) target_semaphore(%run_scoped3A : memref<!tpu.dma_semaphore, #tpu.memory_space<semaphore_mem>>)
          %dma_wait3A_147 = arith.constant 0 : i32
          %dma_wait3A_148 = tpu.memref_slice %arg18[%dma_wait3A_147] : memref<7808xf32, #tpu.memory_space<vmem>> -> memref<4008xf32, #tpu.memory_space<vmem>>
          %dma_wait3A_149 = tpu.memref_slice %arg2[%multiple_of3A_129] : memref<2565000xf32, #tpu.memory_space<hbm>> -> memref<4008xf32, #tpu.memory_space<hbm>>
          %dma_wait3A_150 = arith.constant 0 : i32
          %dma_wait3A_151 = tpu.memref_slice %arg18[%dma_wait3A_150] : memref<7808xf32, #tpu.memory_space<vmem>> -> memref<4008xf32, #tpu.memory_space<vmem>>
          %dma_wait3A_152 = tpu.memref_slice %arg2[%multiple_of3A_129] : memref<2565000xf32, #tpu.memory_space<hbm>> -> memref<4008xf32, #tpu.memory_space<hbm>>
          tpu.wait_dma2 semaphore(%run_scoped3A : memref<!tpu.dma_semaphore, #tpu.memory_space<semaphore_mem>>) src(%dma_wait3A_152 : memref<4008xf32, #tpu.memory_space<hbm>>) dst(%dma_wait3A_151 : memref<4008xf32, #tpu.memory_space<vmem>>)
          tpu.yield
        }) : () -> ()
        %mul3A_130 = arith.constant 32064 : i32
        %mul3A_131 = arith.muli %arg1, %mul3A_130 : i32
        %add3A_132 = arith.constant 24048 : i32
        %add3A_133 = arith.addi %mul3A_131, %add3A_132 : i32
        "tpu.region"() ({
          %run_scoped3A = tpu.sem_alloc : memref<!tpu.dma_semaphore, #tpu.memory_space<semaphore_mem>>
          %dma_start3A_141 = arith.constant 0 : i32
          %dma_start3A_142 = tpu.memref_slice %arg18[%dma_start3A_141] : memref<7808xf32, #tpu.memory_space<vmem>> -> memref<4008xf32, #tpu.memory_space<vmem>>
          %dma_start3A_143 = tpu.memref_slice %arg8[%add3A_133] : memref<513024xf32, #tpu.memory_space<vmem_shared>> -> memref<4008xf32, #tpu.memory_space<vmem_shared>>
          %dma_start3A_144 = tpu.memref_slice %arg8[%add3A_133] : memref<513024xf32, #tpu.memory_space<vmem_shared>> -> memref<4008xf32, #tpu.memory_space<vmem_shared>>
          %dma_start3A_145 = arith.constant 0 : i32
          %dma_start3A_146 = tpu.memref_slice %arg18[%dma_start3A_145] : memref<7808xf32, #tpu.memory_space<vmem>> -> memref<4008xf32, #tpu.memory_space<vmem>>
          tpu.enqueue_dma source(%dma_start3A_146 : memref<4008xf32, #tpu.memory_space<vmem>>) target(%dma_start3A_144 : memref<4008xf32, #tpu.memory_space<vmem_shared>>) target_semaphore(%run_scoped3A : memref<!tpu.dma_semaphore, #tpu.memory_space<semaphore_mem>>)
          %dma_wait3A_147 = arith.constant 0 : i32
          %dma_wait3A_148 = tpu.memref_slice %arg18[%dma_wait3A_147] : memref<7808xf32, #tpu.memory_space<vmem>> -> memref<4008xf32, #tpu.memory_space<vmem>>
          %dma_wait3A_149 = tpu.memref_slice %arg8[%add3A_133] : memref<513024xf32, #tpu.memory_space<vmem_shared>> -> memref<4008xf32, #tpu.memory_space<vmem_shared>>
          %dma_wait3A_150 = tpu.memref_slice %arg8[%add3A_133] : memref<513024xf32, #tpu.memory_space<vmem_shared>> -> memref<4008xf32, #tpu.memory_space<vmem_shared>>
          %dma_wait3A_151 = arith.constant 0 : i32
          %dma_wait3A_152 = tpu.memref_slice %arg18[%dma_wait3A_151] : memref<7808xf32, #tpu.memory_space<vmem>> -> memref<4008xf32, #tpu.memory_space<vmem>>
          tpu.wait_dma2 semaphore(%run_scoped3A : memref<!tpu.dma_semaphore, #tpu.memory_space<semaphore_mem>>) src(%dma_wait3A_152 : memref<4008xf32, #tpu.memory_space<vmem>>) dst(%dma_wait3A_150 : memref<4008xf32, #tpu.memory_space<vmem_shared>>)
          tpu.yield
        }) : () -> ()
        %add3A_134 = arith.constant 28056 : i32
        %add3A_135 = arith.addi %multiple_of3A, %add3A_134 : i32
        %multiple_of3A_136 = tpu.assume_multiple %add3A_135, 8 : i32
        "tpu.region"() ({
          %run_scoped3A = tpu.sem_alloc : memref<!tpu.dma_semaphore, #tpu.memory_space<semaphore_mem>>
          %dma_start3A_141 = arith.constant 0 : i32
          %dma_start3A_142 = tpu.memref_slice %arg18[%dma_start3A_141] : memref<7808xf32, #tpu.memory_space<vmem>> -> memref<4008xf32, #tpu.memory_space<vmem>>
          %dma_start3A_143 = tpu.memref_slice %arg2[%multiple_of3A_136] : memref<2565000xf32, #tpu.memory_space<hbm>> -> memref<4008xf32, #tpu.memory_space<hbm>>
          %dma_start3A_144 = arith.constant 0 : i32
          %dma_start3A_145 = tpu.memref_slice %arg18[%dma_start3A_144] : memref<7808xf32, #tpu.memory_space<vmem>> -> memref<4008xf32, #tpu.memory_space<vmem>>
          %dma_start3A_146 = tpu.memref_slice %arg2[%multiple_of3A_136] : memref<2565000xf32, #tpu.memory_space<hbm>> -> memref<4008xf32, #tpu.memory_space<hbm>>
          tpu.enqueue_dma source(%dma_start3A_146 : memref<4008xf32, #tpu.memory_space<hbm>>) target(%dma_start3A_145 : memref<4008xf32, #tpu.memory_space<vmem>>) target_semaphore(%run_scoped3A : memref<!tpu.dma_semaphore, #tpu.memory_space<semaphore_mem>>)
          %dma_wait3A_147 = arith.constant 0 : i32
          %dma_wait3A_148 = tpu.memref_slice %arg18[%dma_wait3A_147] : memref<7808xf32, #tpu.memory_space<vmem>> -> memref<4008xf32, #tpu.memory_space<vmem>>
          %dma_wait3A_149 = tpu.memref_slice %arg2[%multiple_of3A_136] : memref<2565000xf32, #tpu.memory_space<hbm>> -> memref<4008xf32, #tpu.memory_space<hbm>>
          %dma_wait3A_150 = arith.constant 0 : i32
          %dma_wait3A_151 = tpu.memref_slice %arg18[%dma_wait3A_150] : memref<7808xf32, #tpu.memory_space<vmem>> -> memref<4008xf32, #tpu.memory_space<vmem>>
          %dma_wait3A_152 = tpu.memref_slice %arg2[%multiple_of3A_136] : memref<2565000xf32, #tpu.memory_space<hbm>> -> memref<4008xf32, #tpu.memory_space<hbm>>
          tpu.wait_dma2 semaphore(%run_scoped3A : memref<!tpu.dma_semaphore, #tpu.memory_space<semaphore_mem>>) src(%dma_wait3A_152 : memref<4008xf32, #tpu.memory_space<hbm>>) dst(%dma_wait3A_151 : memref<4008xf32, #tpu.memory_space<vmem>>)
          tpu.yield
        }) : () -> ()
        %mul3A_137 = arith.constant 32064 : i32
        %mul3A_138 = arith.muli %arg1, %mul3A_137 : i32
        %add3A_139 = arith.constant 28056 : i32
        %add3A_140 = arith.addi %mul3A_138, %add3A_139 : i32
        "tpu.region"() ({
          %run_scoped3A = tpu.sem_alloc : memref<!tpu.dma_semaphore, #tpu.memory_space<semaphore_mem>>
          %dma_start3A_141 = arith.constant 0 : i32
          %dma_start3A_142 = tpu.memref_slice %arg18[%dma_start3A_141] : memref<7808xf32, #tpu.memory_space<vmem>> -> memref<4008xf32, #tpu.memory_space<vmem>>
          %dma_start3A_143 = tpu.memref_slice %arg8[%add3A_140] : memref<513024xf32, #tpu.memory_space<vmem_shared>> -> memref<4008xf32, #tpu.memory_space<vmem_shared>>
          %dma_start3A_144 = tpu.memref_slice %arg8[%add3A_140] : memref<513024xf32, #tpu.memory_space<vmem_shared>> -> memref<4008xf32, #tpu.memory_space<vmem_shared>>
          %dma_start3A_145 = arith.constant 0 : i32
          %dma_start3A_146 = tpu.memref_slice %arg18[%dma_start3A_145] : memref<7808xf32, #tpu.memory_space<vmem>> -> memref<4008xf32, #tpu.memory_space<vmem>>
          tpu.enqueue_dma source(%dma_start3A_146 : memref<4008xf32, #tpu.memory_space<vmem>>) target(%dma_start3A_144 : memref<4008xf32, #tpu.memory_space<vmem_shared>>) target_semaphore(%run_scoped3A : memref<!tpu.dma_semaphore, #tpu.memory_space<semaphore_mem>>)
          %dma_wait3A_147 = arith.constant 0 : i32
          %dma_wait3A_148 = tpu.memref_slice %arg18[%dma_wait3A_147] : memref<7808xf32, #tpu.memory_space<vmem>> -> memref<4008xf32, #tpu.memory_space<vmem>>
          %dma_wait3A_149 = tpu.memref_slice %arg8[%add3A_140] : memref<513024xf32, #tpu.memory_space<vmem_shared>> -> memref<4008xf32, #tpu.memory_space<vmem_shared>>
          %dma_wait3A_150 = tpu.memref_slice %arg8[%add3A_140] : memref<513024xf32, #tpu.memory_space<vmem_shared>> -> memref<4008xf32, #tpu.memory_space<vmem_shared>>
          %dma_wait3A_151 = arith.constant 0 : i32
          %dma_wait3A_152 = tpu.memref_slice %arg18[%dma_wait3A_151] : memref<7808xf32, #tpu.memory_space<vmem>> -> memref<4008xf32, #tpu.memory_space<vmem>>
          tpu.wait_dma2 semaphore(%run_scoped3A : memref<!tpu.dma_semaphore, #tpu.memory_space<semaphore_mem>>) src(%dma_wait3A_152 : memref<4008xf32, #tpu.memory_space<vmem>>) dst(%dma_wait3A_150 : memref<4008xf32, #tpu.memory_space<vmem_shared>>)
          tpu.yield
        }) : () -> ()
      } else {
      }
      %eq3A_28 = arith.constant 15 : i32
      %eq3A_29 = arith.cmpi eq, %arg1, %eq3A_28 : i32
      %convert_element_type3A_30 = arith.extui %eq3A_29 : i1 to i32
      %cond3A_31 = arith.constant 0 : i32
      %cond3A_32 = arith.cmpi ne, %convert_element_type3A_30, %cond3A_31 : i32
      scf.if %cond3A_32 {
        %add3A_85 = arith.constant 0 : i32
        %add3A_86 = arith.addi %multiple_of3A, %add3A_85 : i32
        %multiple_of3A_87 = tpu.assume_multiple %add3A_86, 8 : i32
        "tpu.region"() ({
          %run_scoped3A = tpu.sem_alloc : memref<!tpu.dma_semaphore, #tpu.memory_space<semaphore_mem>>
          %dma_start3A_109 = arith.constant 0 : i32
          %dma_start3A_110 = tpu.memref_slice %arg18[%dma_start3A_109] : memref<7808xf32, #tpu.memory_space<vmem>> -> memref<4008xf32, #tpu.memory_space<vmem>>
          %dma_start3A_111 = tpu.memref_slice %arg2[%multiple_of3A_87] : memref<2565000xf32, #tpu.memory_space<hbm>> -> memref<4008xf32, #tpu.memory_space<hbm>>
          %dma_start3A_112 = arith.constant 0 : i32
          %dma_start3A_113 = tpu.memref_slice %arg18[%dma_start3A_112] : memref<7808xf32, #tpu.memory_space<vmem>> -> memref<4008xf32, #tpu.memory_space<vmem>>
          %dma_start3A_114 = tpu.memref_slice %arg2[%multiple_of3A_87] : memref<2565000xf32, #tpu.memory_space<hbm>> -> memref<4008xf32, #tpu.memory_space<hbm>>
          tpu.enqueue_dma source(%dma_start3A_114 : memref<4008xf32, #tpu.memory_space<hbm>>) target(%dma_start3A_113 : memref<4008xf32, #tpu.memory_space<vmem>>) target_semaphore(%run_scoped3A : memref<!tpu.dma_semaphore, #tpu.memory_space<semaphore_mem>>)
          %dma_wait3A_115 = arith.constant 0 : i32
          %dma_wait3A_116 = tpu.memref_slice %arg18[%dma_wait3A_115] : memref<7808xf32, #tpu.memory_space<vmem>> -> memref<4008xf32, #tpu.memory_space<vmem>>
          %dma_wait3A_117 = tpu.memref_slice %arg2[%multiple_of3A_87] : memref<2565000xf32, #tpu.memory_space<hbm>> -> memref<4008xf32, #tpu.memory_space<hbm>>
          %dma_wait3A_118 = arith.constant 0 : i32
          %dma_wait3A_119 = tpu.memref_slice %arg18[%dma_wait3A_118] : memref<7808xf32, #tpu.memory_space<vmem>> -> memref<4008xf32, #tpu.memory_space<vmem>>
          %dma_wait3A_120 = tpu.memref_slice %arg2[%multiple_of3A_87] : memref<2565000xf32, #tpu.memory_space<hbm>> -> memref<4008xf32, #tpu.memory_space<hbm>>
          tpu.wait_dma2 semaphore(%run_scoped3A : memref<!tpu.dma_semaphore, #tpu.memory_space<semaphore_mem>>) src(%dma_wait3A_120 : memref<4008xf32, #tpu.memory_space<hbm>>) dst(%dma_wait3A_119 : memref<4008xf32, #tpu.memory_space<vmem>>)
          tpu.yield
        }) : () -> ()
        "tpu.region"() ({
          %run_scoped3A = tpu.sem_alloc : memref<!tpu.dma_semaphore, #tpu.memory_space<semaphore_mem>>
          %dma_start3A_109 = arith.constant 0 : i32
          %dma_start3A_110 = tpu.memref_slice %arg18[%dma_start3A_109] : memref<7808xf32, #tpu.memory_space<vmem>> -> memref<4008xf32, #tpu.memory_space<vmem>>
          %dma_start3A_111 = arith.constant 480960 : i32
          %dma_start3A_112 = tpu.memref_slice %arg8[%dma_start3A_111] : memref<513024xf32, #tpu.memory_space<vmem_shared>> -> memref<4008xf32, #tpu.memory_space<vmem_shared>>
          %dma_start3A_113 = arith.constant 480960 : i32
          %dma_start3A_114 = tpu.memref_slice %arg8[%dma_start3A_113] : memref<513024xf32, #tpu.memory_space<vmem_shared>> -> memref<4008xf32, #tpu.memory_space<vmem_shared>>
          %dma_start3A_115 = arith.constant 0 : i32
          %dma_start3A_116 = tpu.memref_slice %arg18[%dma_start3A_115] : memref<7808xf32, #tpu.memory_space<vmem>> -> memref<4008xf32, #tpu.memory_space<vmem>>
          tpu.enqueue_dma source(%dma_start3A_116 : memref<4008xf32, #tpu.memory_space<vmem>>) target(%dma_start3A_114 : memref<4008xf32, #tpu.memory_space<vmem_shared>>) target_semaphore(%run_scoped3A : memref<!tpu.dma_semaphore, #tpu.memory_space<semaphore_mem>>)
          %dma_wait3A_117 = arith.constant 0 : i32
          %dma_wait3A_118 = tpu.memref_slice %arg18[%dma_wait3A_117] : memref<7808xf32, #tpu.memory_space<vmem>> -> memref<4008xf32, #tpu.memory_space<vmem>>
          %dma_wait3A_119 = arith.constant 480960 : i32
          %dma_wait3A_120 = tpu.memref_slice %arg8[%dma_wait3A_119] : memref<513024xf32, #tpu.memory_space<vmem_shared>> -> memref<4008xf32, #tpu.memory_space<vmem_shared>>
          %dma_wait3A_121 = arith.constant 480960 : i32
          %dma_wait3A_122 = tpu.memref_slice %arg8[%dma_wait3A_121] : memref<513024xf32, #tpu.memory_space<vmem_shared>> -> memref<4008xf32, #tpu.memory_space<vmem_shared>>
          %dma_wait3A_123 = arith.constant 0 : i32
          %dma_wait3A_124 = tpu.memref_slice %arg18[%dma_wait3A_123] : memref<7808xf32, #tpu.memory_space<vmem>> -> memref<4008xf32, #tpu.memory_space<vmem>>
          tpu.wait_dma2 semaphore(%run_scoped3A : memref<!tpu.dma_semaphore, #tpu.memory_space<semaphore_mem>>) src(%dma_wait3A_124 : memref<4008xf32, #tpu.memory_space<vmem>>) dst(%dma_wait3A_122 : memref<4008xf32, #tpu.memory_space<vmem_shared>>)
          tpu.yield
        }) : () -> ()
        %add3A_88 = arith.constant 4008 : i32
        %add3A_89 = arith.addi %multiple_of3A, %add3A_88 : i32
        %multiple_of3A_90 = tpu.assume_multiple %add3A_89, 8 : i32
        "tpu.region"() ({
          %run_scoped3A = tpu.sem_alloc : memref<!tpu.dma_semaphore, #tpu.memory_space<semaphore_mem>>
          %dma_start3A_109 = arith.constant 0 : i32
          %dma_start3A_110 = tpu.memref_slice %arg18[%dma_start3A_109] : memref<7808xf32, #tpu.memory_space<vmem>> -> memref<4008xf32, #tpu.memory_space<vmem>>
          %dma_start3A_111 = tpu.memref_slice %arg2[%multiple_of3A_90] : memref<2565000xf32, #tpu.memory_space<hbm>> -> memref<4008xf32, #tpu.memory_space<hbm>>
          %dma_start3A_112 = arith.constant 0 : i32
          %dma_start3A_113 = tpu.memref_slice %arg18[%dma_start3A_112] : memref<7808xf32, #tpu.memory_space<vmem>> -> memref<4008xf32, #tpu.memory_space<vmem>>
          %dma_start3A_114 = tpu.memref_slice %arg2[%multiple_of3A_90] : memref<2565000xf32, #tpu.memory_space<hbm>> -> memref<4008xf32, #tpu.memory_space<hbm>>
          tpu.enqueue_dma source(%dma_start3A_114 : memref<4008xf32, #tpu.memory_space<hbm>>) target(%dma_start3A_113 : memref<4008xf32, #tpu.memory_space<vmem>>) target_semaphore(%run_scoped3A : memref<!tpu.dma_semaphore, #tpu.memory_space<semaphore_mem>>)
          %dma_wait3A_115 = arith.constant 0 : i32
          %dma_wait3A_116 = tpu.memref_slice %arg18[%dma_wait3A_115] : memref<7808xf32, #tpu.memory_space<vmem>> -> memref<4008xf32, #tpu.memory_space<vmem>>
          %dma_wait3A_117 = tpu.memref_slice %arg2[%multiple_of3A_90] : memref<2565000xf32, #tpu.memory_space<hbm>> -> memref<4008xf32, #tpu.memory_space<hbm>>
          %dma_wait3A_118 = arith.constant 0 : i32
          %dma_wait3A_119 = tpu.memref_slice %arg18[%dma_wait3A_118] : memref<7808xf32, #tpu.memory_space<vmem>> -> memref<4008xf32, #tpu.memory_space<vmem>>
          %dma_wait3A_120 = tpu.memref_slice %arg2[%multiple_of3A_90] : memref<2565000xf32, #tpu.memory_space<hbm>> -> memref<4008xf32, #tpu.memory_space<hbm>>
          tpu.wait_dma2 semaphore(%run_scoped3A : memref<!tpu.dma_semaphore, #tpu.memory_space<semaphore_mem>>) src(%dma_wait3A_120 : memref<4008xf32, #tpu.memory_space<hbm>>) dst(%dma_wait3A_119 : memref<4008xf32, #tpu.memory_space<vmem>>)
          tpu.yield
        }) : () -> ()
        "tpu.region"() ({
          %run_scoped3A = tpu.sem_alloc : memref<!tpu.dma_semaphore, #tpu.memory_space<semaphore_mem>>
          %dma_start3A_109 = arith.constant 0 : i32
          %dma_start3A_110 = tpu.memref_slice %arg18[%dma_start3A_109] : memref<7808xf32, #tpu.memory_space<vmem>> -> memref<4008xf32, #tpu.memory_space<vmem>>
          %dma_start3A_111 = arith.constant 484968 : i32
          %dma_start3A_112 = tpu.memref_slice %arg8[%dma_start3A_111] : memref<513024xf32, #tpu.memory_space<vmem_shared>> -> memref<4008xf32, #tpu.memory_space<vmem_shared>>
          %dma_start3A_113 = arith.constant 484968 : i32
          %dma_start3A_114 = tpu.memref_slice %arg8[%dma_start3A_113] : memref<513024xf32, #tpu.memory_space<vmem_shared>> -> memref<4008xf32, #tpu.memory_space<vmem_shared>>
          %dma_start3A_115 = arith.constant 0 : i32
          %dma_start3A_116 = tpu.memref_slice %arg18[%dma_start3A_115] : memref<7808xf32, #tpu.memory_space<vmem>> -> memref<4008xf32, #tpu.memory_space<vmem>>
          tpu.enqueue_dma source(%dma_start3A_116 : memref<4008xf32, #tpu.memory_space<vmem>>) target(%dma_start3A_114 : memref<4008xf32, #tpu.memory_space<vmem_shared>>) target_semaphore(%run_scoped3A : memref<!tpu.dma_semaphore, #tpu.memory_space<semaphore_mem>>)
          %dma_wait3A_117 = arith.constant 0 : i32
          %dma_wait3A_118 = tpu.memref_slice %arg18[%dma_wait3A_117] : memref<7808xf32, #tpu.memory_space<vmem>> -> memref<4008xf32, #tpu.memory_space<vmem>>
          %dma_wait3A_119 = arith.constant 484968 : i32
          %dma_wait3A_120 = tpu.memref_slice %arg8[%dma_wait3A_119] : memref<513024xf32, #tpu.memory_space<vmem_shared>> -> memref<4008xf32, #tpu.memory_space<vmem_shared>>
          %dma_wait3A_121 = arith.constant 484968 : i32
          %dma_wait3A_122 = tpu.memref_slice %arg8[%dma_wait3A_121] : memref<513024xf32, #tpu.memory_space<vmem_shared>> -> memref<4008xf32, #tpu.memory_space<vmem_shared>>
          %dma_wait3A_123 = arith.constant 0 : i32
          %dma_wait3A_124 = tpu.memref_slice %arg18[%dma_wait3A_123] : memref<7808xf32, #tpu.memory_space<vmem>> -> memref<4008xf32, #tpu.memory_space<vmem>>
          tpu.wait_dma2 semaphore(%run_scoped3A : memref<!tpu.dma_semaphore, #tpu.memory_space<semaphore_mem>>) src(%dma_wait3A_124 : memref<4008xf32, #tpu.memory_space<vmem>>) dst(%dma_wait3A_122 : memref<4008xf32, #tpu.memory_space<vmem_shared>>)
          tpu.yield
        }) : () -> ()
        %add3A_91 = arith.constant 8016 : i32
        %add3A_92 = arith.addi %multiple_of3A, %add3A_91 : i32
        %multiple_of3A_93 = tpu.assume_multiple %add3A_92, 8 : i32
        "tpu.region"() ({
          %run_scoped3A = tpu.sem_alloc : memref<!tpu.dma_semaphore, #tpu.memory_space<semaphore_mem>>
          %dma_start3A_109 = arith.constant 0 : i32
          %dma_start3A_110 = tpu.memref_slice %arg18[%dma_start3A_109] : memref<7808xf32, #tpu.memory_space<vmem>> -> memref<4008xf32, #tpu.memory_space<vmem>>
          %dma_start3A_111 = tpu.memref_slice %arg2[%multiple_of3A_93] : memref<2565000xf32, #tpu.memory_space<hbm>> -> memref<4008xf32, #tpu.memory_space<hbm>>
          %dma_start3A_112 = arith.constant 0 : i32
          %dma_start3A_113 = tpu.memref_slice %arg18[%dma_start3A_112] : memref<7808xf32, #tpu.memory_space<vmem>> -> memref<4008xf32, #tpu.memory_space<vmem>>
          %dma_start3A_114 = tpu.memref_slice %arg2[%multiple_of3A_93] : memref<2565000xf32, #tpu.memory_space<hbm>> -> memref<4008xf32, #tpu.memory_space<hbm>>
          tpu.enqueue_dma source(%dma_start3A_114 : memref<4008xf32, #tpu.memory_space<hbm>>) target(%dma_start3A_113 : memref<4008xf32, #tpu.memory_space<vmem>>) target_semaphore(%run_scoped3A : memref<!tpu.dma_semaphore, #tpu.memory_space<semaphore_mem>>)
          %dma_wait3A_115 = arith.constant 0 : i32
          %dma_wait3A_116 = tpu.memref_slice %arg18[%dma_wait3A_115] : memref<7808xf32, #tpu.memory_space<vmem>> -> memref<4008xf32, #tpu.memory_space<vmem>>
          %dma_wait3A_117 = tpu.memref_slice %arg2[%multiple_of3A_93] : memref<2565000xf32, #tpu.memory_space<hbm>> -> memref<4008xf32, #tpu.memory_space<hbm>>
          %dma_wait3A_118 = arith.constant 0 : i32
          %dma_wait3A_119 = tpu.memref_slice %arg18[%dma_wait3A_118] : memref<7808xf32, #tpu.memory_space<vmem>> -> memref<4008xf32, #tpu.memory_space<vmem>>
          %dma_wait3A_120 = tpu.memref_slice %arg2[%multiple_of3A_93] : memref<2565000xf32, #tpu.memory_space<hbm>> -> memref<4008xf32, #tpu.memory_space<hbm>>
          tpu.wait_dma2 semaphore(%run_scoped3A : memref<!tpu.dma_semaphore, #tpu.memory_space<semaphore_mem>>) src(%dma_wait3A_120 : memref<4008xf32, #tpu.memory_space<hbm>>) dst(%dma_wait3A_119 : memref<4008xf32, #tpu.memory_space<vmem>>)
          tpu.yield
        }) : () -> ()
        "tpu.region"() ({
          %run_scoped3A = tpu.sem_alloc : memref<!tpu.dma_semaphore, #tpu.memory_space<semaphore_mem>>
          %dma_start3A_109 = arith.constant 0 : i32
          %dma_start3A_110 = tpu.memref_slice %arg18[%dma_start3A_109] : memref<7808xf32, #tpu.memory_space<vmem>> -> memref<4008xf32, #tpu.memory_space<vmem>>
          %dma_start3A_111 = arith.constant 488976 : i32
          %dma_start3A_112 = tpu.memref_slice %arg8[%dma_start3A_111] : memref<513024xf32, #tpu.memory_space<vmem_shared>> -> memref<4008xf32, #tpu.memory_space<vmem_shared>>
          %dma_start3A_113 = arith.constant 488976 : i32
          %dma_start3A_114 = tpu.memref_slice %arg8[%dma_start3A_113] : memref<513024xf32, #tpu.memory_space<vmem_shared>> -> memref<4008xf32, #tpu.memory_space<vmem_shared>>
          %dma_start3A_115 = arith.constant 0 : i32
          %dma_start3A_116 = tpu.memref_slice %arg18[%dma_start3A_115] : memref<7808xf32, #tpu.memory_space<vmem>> -> memref<4008xf32, #tpu.memory_space<vmem>>
          tpu.enqueue_dma source(%dma_start3A_116 : memref<4008xf32, #tpu.memory_space<vmem>>) target(%dma_start3A_114 : memref<4008xf32, #tpu.memory_space<vmem_shared>>) target_semaphore(%run_scoped3A : memref<!tpu.dma_semaphore, #tpu.memory_space<semaphore_mem>>)
          %dma_wait3A_117 = arith.constant 0 : i32
          %dma_wait3A_118 = tpu.memref_slice %arg18[%dma_wait3A_117] : memref<7808xf32, #tpu.memory_space<vmem>> -> memref<4008xf32, #tpu.memory_space<vmem>>
          %dma_wait3A_119 = arith.constant 488976 : i32
          %dma_wait3A_120 = tpu.memref_slice %arg8[%dma_wait3A_119] : memref<513024xf32, #tpu.memory_space<vmem_shared>> -> memref<4008xf32, #tpu.memory_space<vmem_shared>>
          %dma_wait3A_121 = arith.constant 488976 : i32
          %dma_wait3A_122 = tpu.memref_slice %arg8[%dma_wait3A_121] : memref<513024xf32, #tpu.memory_space<vmem_shared>> -> memref<4008xf32, #tpu.memory_space<vmem_shared>>
          %dma_wait3A_123 = arith.constant 0 : i32
          %dma_wait3A_124 = tpu.memref_slice %arg18[%dma_wait3A_123] : memref<7808xf32, #tpu.memory_space<vmem>> -> memref<4008xf32, #tpu.memory_space<vmem>>
          tpu.wait_dma2 semaphore(%run_scoped3A : memref<!tpu.dma_semaphore, #tpu.memory_space<semaphore_mem>>) src(%dma_wait3A_124 : memref<4008xf32, #tpu.memory_space<vmem>>) dst(%dma_wait3A_122 : memref<4008xf32, #tpu.memory_space<vmem_shared>>)
          tpu.yield
        }) : () -> ()
        %add3A_94 = arith.constant 12024 : i32
        %add3A_95 = arith.addi %multiple_of3A, %add3A_94 : i32
        %multiple_of3A_96 = tpu.assume_multiple %add3A_95, 8 : i32
        "tpu.region"() ({
          %run_scoped3A = tpu.sem_alloc : memref<!tpu.dma_semaphore, #tpu.memory_space<semaphore_mem>>
          %dma_start3A_109 = arith.constant 0 : i32
          %dma_start3A_110 = tpu.memref_slice %arg18[%dma_start3A_109] : memref<7808xf32, #tpu.memory_space<vmem>> -> memref<4008xf32, #tpu.memory_space<vmem>>
          %dma_start3A_111 = tpu.memref_slice %arg2[%multiple_of3A_96] : memref<2565000xf32, #tpu.memory_space<hbm>> -> memref<4008xf32, #tpu.memory_space<hbm>>
          %dma_start3A_112 = arith.constant 0 : i32
          %dma_start3A_113 = tpu.memref_slice %arg18[%dma_start3A_112] : memref<7808xf32, #tpu.memory_space<vmem>> -> memref<4008xf32, #tpu.memory_space<vmem>>
          %dma_start3A_114 = tpu.memref_slice %arg2[%multiple_of3A_96] : memref<2565000xf32, #tpu.memory_space<hbm>> -> memref<4008xf32, #tpu.memory_space<hbm>>
          tpu.enqueue_dma source(%dma_start3A_114 : memref<4008xf32, #tpu.memory_space<hbm>>) target(%dma_start3A_113 : memref<4008xf32, #tpu.memory_space<vmem>>) target_semaphore(%run_scoped3A : memref<!tpu.dma_semaphore, #tpu.memory_space<semaphore_mem>>)
          %dma_wait3A_115 = arith.constant 0 : i32
          %dma_wait3A_116 = tpu.memref_slice %arg18[%dma_wait3A_115] : memref<7808xf32, #tpu.memory_space<vmem>> -> memref<4008xf32, #tpu.memory_space<vmem>>
          %dma_wait3A_117 = tpu.memref_slice %arg2[%multiple_of3A_96] : memref<2565000xf32, #tpu.memory_space<hbm>> -> memref<4008xf32, #tpu.memory_space<hbm>>
          %dma_wait3A_118 = arith.constant 0 : i32
          %dma_wait3A_119 = tpu.memref_slice %arg18[%dma_wait3A_118] : memref<7808xf32, #tpu.memory_space<vmem>> -> memref<4008xf32, #tpu.memory_space<vmem>>
          %dma_wait3A_120 = tpu.memref_slice %arg2[%multiple_of3A_96] : memref<2565000xf32, #tpu.memory_space<hbm>> -> memref<4008xf32, #tpu.memory_space<hbm>>
          tpu.wait_dma2 semaphore(%run_scoped3A : memref<!tpu.dma_semaphore, #tpu.memory_space<semaphore_mem>>) src(%dma_wait3A_120 : memref<4008xf32, #tpu.memory_space<hbm>>) dst(%dma_wait3A_119 : memref<4008xf32, #tpu.memory_space<vmem>>)
          tpu.yield
        }) : () -> ()
        "tpu.region"() ({
          %run_scoped3A = tpu.sem_alloc : memref<!tpu.dma_semaphore, #tpu.memory_space<semaphore_mem>>
          %dma_start3A_109 = arith.constant 0 : i32
          %dma_start3A_110 = tpu.memref_slice %arg18[%dma_start3A_109] : memref<7808xf32, #tpu.memory_space<vmem>> -> memref<4008xf32, #tpu.memory_space<vmem>>
          %dma_start3A_111 = arith.constant 492984 : i32
          %dma_start3A_112 = tpu.memref_slice %arg8[%dma_start3A_111] : memref<513024xf32, #tpu.memory_space<vmem_shared>> -> memref<4008xf32, #tpu.memory_space<vmem_shared>>
          %dma_start3A_113 = arith.constant 492984 : i32
          %dma_start3A_114 = tpu.memref_slice %arg8[%dma_start3A_113] : memref<513024xf32, #tpu.memory_space<vmem_shared>> -> memref<4008xf32, #tpu.memory_space<vmem_shared>>
          %dma_start3A_115 = arith.constant 0 : i32
          %dma_start3A_116 = tpu.memref_slice %arg18[%dma_start3A_115] : memref<7808xf32, #tpu.memory_space<vmem>> -> memref<4008xf32, #tpu.memory_space<vmem>>
          tpu.enqueue_dma source(%dma_start3A_116 : memref<4008xf32, #tpu.memory_space<vmem>>) target(%dma_start3A_114 : memref<4008xf32, #tpu.memory_space<vmem_shared>>) target_semaphore(%run_scoped3A : memref<!tpu.dma_semaphore, #tpu.memory_space<semaphore_mem>>)
          %dma_wait3A_117 = arith.constant 0 : i32
          %dma_wait3A_118 = tpu.memref_slice %arg18[%dma_wait3A_117] : memref<7808xf32, #tpu.memory_space<vmem>> -> memref<4008xf32, #tpu.memory_space<vmem>>
          %dma_wait3A_119 = arith.constant 492984 : i32
          %dma_wait3A_120 = tpu.memref_slice %arg8[%dma_wait3A_119] : memref<513024xf32, #tpu.memory_space<vmem_shared>> -> memref<4008xf32, #tpu.memory_space<vmem_shared>>
          %dma_wait3A_121 = arith.constant 492984 : i32
          %dma_wait3A_122 = tpu.memref_slice %arg8[%dma_wait3A_121] : memref<513024xf32, #tpu.memory_space<vmem_shared>> -> memref<4008xf32, #tpu.memory_space<vmem_shared>>
          %dma_wait3A_123 = arith.constant 0 : i32
          %dma_wait3A_124 = tpu.memref_slice %arg18[%dma_wait3A_123] : memref<7808xf32, #tpu.memory_space<vmem>> -> memref<4008xf32, #tpu.memory_space<vmem>>
          tpu.wait_dma2 semaphore(%run_scoped3A : memref<!tpu.dma_semaphore, #tpu.memory_space<semaphore_mem>>) src(%dma_wait3A_124 : memref<4008xf32, #tpu.memory_space<vmem>>) dst(%dma_wait3A_122 : memref<4008xf32, #tpu.memory_space<vmem_shared>>)
          tpu.yield
        }) : () -> ()
        %add3A_97 = arith.constant 16032 : i32
        %add3A_98 = arith.addi %multiple_of3A, %add3A_97 : i32
        %multiple_of3A_99 = tpu.assume_multiple %add3A_98, 8 : i32
        "tpu.region"() ({
          %run_scoped3A = tpu.sem_alloc : memref<!tpu.dma_semaphore, #tpu.memory_space<semaphore_mem>>
          %dma_start3A_109 = arith.constant 0 : i32
          %dma_start3A_110 = tpu.memref_slice %arg18[%dma_start3A_109] : memref<7808xf32, #tpu.memory_space<vmem>> -> memref<4008xf32, #tpu.memory_space<vmem>>
          %dma_start3A_111 = tpu.memref_slice %arg2[%multiple_of3A_99] : memref<2565000xf32, #tpu.memory_space<hbm>> -> memref<4008xf32, #tpu.memory_space<hbm>>
          %dma_start3A_112 = arith.constant 0 : i32
          %dma_start3A_113 = tpu.memref_slice %arg18[%dma_start3A_112] : memref<7808xf32, #tpu.memory_space<vmem>> -> memref<4008xf32, #tpu.memory_space<vmem>>
          %dma_start3A_114 = tpu.memref_slice %arg2[%multiple_of3A_99] : memref<2565000xf32, #tpu.memory_space<hbm>> -> memref<4008xf32, #tpu.memory_space<hbm>>
          tpu.enqueue_dma source(%dma_start3A_114 : memref<4008xf32, #tpu.memory_space<hbm>>) target(%dma_start3A_113 : memref<4008xf32, #tpu.memory_space<vmem>>) target_semaphore(%run_scoped3A : memref<!tpu.dma_semaphore, #tpu.memory_space<semaphore_mem>>)
          %dma_wait3A_115 = arith.constant 0 : i32
          %dma_wait3A_116 = tpu.memref_slice %arg18[%dma_wait3A_115] : memref<7808xf32, #tpu.memory_space<vmem>> -> memref<4008xf32, #tpu.memory_space<vmem>>
          %dma_wait3A_117 = tpu.memref_slice %arg2[%multiple_of3A_99] : memref<2565000xf32, #tpu.memory_space<hbm>> -> memref<4008xf32, #tpu.memory_space<hbm>>
          %dma_wait3A_118 = arith.constant 0 : i32
          %dma_wait3A_119 = tpu.memref_slice %arg18[%dma_wait3A_118] : memref<7808xf32, #tpu.memory_space<vmem>> -> memref<4008xf32, #tpu.memory_space<vmem>>
          %dma_wait3A_120 = tpu.memref_slice %arg2[%multiple_of3A_99] : memref<2565000xf32, #tpu.memory_space<hbm>> -> memref<4008xf32, #tpu.memory_space<hbm>>
          tpu.wait_dma2 semaphore(%run_scoped3A : memref<!tpu.dma_semaphore, #tpu.memory_space<semaphore_mem>>) src(%dma_wait3A_120 : memref<4008xf32, #tpu.memory_space<hbm>>) dst(%dma_wait3A_119 : memref<4008xf32, #tpu.memory_space<vmem>>)
          tpu.yield
        }) : () -> ()
        "tpu.region"() ({
          %run_scoped3A = tpu.sem_alloc : memref<!tpu.dma_semaphore, #tpu.memory_space<semaphore_mem>>
          %dma_start3A_109 = arith.constant 0 : i32
          %dma_start3A_110 = tpu.memref_slice %arg18[%dma_start3A_109] : memref<7808xf32, #tpu.memory_space<vmem>> -> memref<4008xf32, #tpu.memory_space<vmem>>
          %dma_start3A_111 = arith.constant 496992 : i32
          %dma_start3A_112 = tpu.memref_slice %arg8[%dma_start3A_111] : memref<513024xf32, #tpu.memory_space<vmem_shared>> -> memref<4008xf32, #tpu.memory_space<vmem_shared>>
          %dma_start3A_113 = arith.constant 496992 : i32
          %dma_start3A_114 = tpu.memref_slice %arg8[%dma_start3A_113] : memref<513024xf32, #tpu.memory_space<vmem_shared>> -> memref<4008xf32, #tpu.memory_space<vmem_shared>>
          %dma_start3A_115 = arith.constant 0 : i32
          %dma_start3A_116 = tpu.memref_slice %arg18[%dma_start3A_115] : memref<7808xf32, #tpu.memory_space<vmem>> -> memref<4008xf32, #tpu.memory_space<vmem>>
          tpu.enqueue_dma source(%dma_start3A_116 : memref<4008xf32, #tpu.memory_space<vmem>>) target(%dma_start3A_114 : memref<4008xf32, #tpu.memory_space<vmem_shared>>) target_semaphore(%run_scoped3A : memref<!tpu.dma_semaphore, #tpu.memory_space<semaphore_mem>>)
          %dma_wait3A_117 = arith.constant 0 : i32
          %dma_wait3A_118 = tpu.memref_slice %arg18[%dma_wait3A_117] : memref<7808xf32, #tpu.memory_space<vmem>> -> memref<4008xf32, #tpu.memory_space<vmem>>
          %dma_wait3A_119 = arith.constant 496992 : i32
          %dma_wait3A_120 = tpu.memref_slice %arg8[%dma_wait3A_119] : memref<513024xf32, #tpu.memory_space<vmem_shared>> -> memref<4008xf32, #tpu.memory_space<vmem_shared>>
          %dma_wait3A_121 = arith.constant 496992 : i32
          %dma_wait3A_122 = tpu.memref_slice %arg8[%dma_wait3A_121] : memref<513024xf32, #tpu.memory_space<vmem_shared>> -> memref<4008xf32, #tpu.memory_space<vmem_shared>>
          %dma_wait3A_123 = arith.constant 0 : i32
          %dma_wait3A_124 = tpu.memref_slice %arg18[%dma_wait3A_123] : memref<7808xf32, #tpu.memory_space<vmem>> -> memref<4008xf32, #tpu.memory_space<vmem>>
          tpu.wait_dma2 semaphore(%run_scoped3A : memref<!tpu.dma_semaphore, #tpu.memory_space<semaphore_mem>>) src(%dma_wait3A_124 : memref<4008xf32, #tpu.memory_space<vmem>>) dst(%dma_wait3A_122 : memref<4008xf32, #tpu.memory_space<vmem_shared>>)
          tpu.yield
        }) : () -> ()
        %add3A_100 = arith.constant 20040 : i32
        %add3A_101 = arith.addi %multiple_of3A, %add3A_100 : i32
        %multiple_of3A_102 = tpu.assume_multiple %add3A_101, 8 : i32
        "tpu.region"() ({
          %run_scoped3A = tpu.sem_alloc : memref<!tpu.dma_semaphore, #tpu.memory_space<semaphore_mem>>
          %dma_start3A_109 = arith.constant 0 : i32
          %dma_start3A_110 = tpu.memref_slice %arg18[%dma_start3A_109] : memref<7808xf32, #tpu.memory_space<vmem>> -> memref<4008xf32, #tpu.memory_space<vmem>>
          %dma_start3A_111 = tpu.memref_slice %arg2[%multiple_of3A_102] : memref<2565000xf32, #tpu.memory_space<hbm>> -> memref<4008xf32, #tpu.memory_space<hbm>>
          %dma_start3A_112 = arith.constant 0 : i32
          %dma_start3A_113 = tpu.memref_slice %arg18[%dma_start3A_112] : memref<7808xf32, #tpu.memory_space<vmem>> -> memref<4008xf32, #tpu.memory_space<vmem>>
          %dma_start3A_114 = tpu.memref_slice %arg2[%multiple_of3A_102] : memref<2565000xf32, #tpu.memory_space<hbm>> -> memref<4008xf32, #tpu.memory_space<hbm>>
          tpu.enqueue_dma source(%dma_start3A_114 : memref<4008xf32, #tpu.memory_space<hbm>>) target(%dma_start3A_113 : memref<4008xf32, #tpu.memory_space<vmem>>) target_semaphore(%run_scoped3A : memref<!tpu.dma_semaphore, #tpu.memory_space<semaphore_mem>>)
          %dma_wait3A_115 = arith.constant 0 : i32
          %dma_wait3A_116 = tpu.memref_slice %arg18[%dma_wait3A_115] : memref<7808xf32, #tpu.memory_space<vmem>> -> memref<4008xf32, #tpu.memory_space<vmem>>
          %dma_wait3A_117 = tpu.memref_slice %arg2[%multiple_of3A_102] : memref<2565000xf32, #tpu.memory_space<hbm>> -> memref<4008xf32, #tpu.memory_space<hbm>>
          %dma_wait3A_118 = arith.constant 0 : i32
          %dma_wait3A_119 = tpu.memref_slice %arg18[%dma_wait3A_118] : memref<7808xf32, #tpu.memory_space<vmem>> -> memref<4008xf32, #tpu.memory_space<vmem>>
          %dma_wait3A_120 = tpu.memref_slice %arg2[%multiple_of3A_102] : memref<2565000xf32, #tpu.memory_space<hbm>> -> memref<4008xf32, #tpu.memory_space<hbm>>
          tpu.wait_dma2 semaphore(%run_scoped3A : memref<!tpu.dma_semaphore, #tpu.memory_space<semaphore_mem>>) src(%dma_wait3A_120 : memref<4008xf32, #tpu.memory_space<hbm>>) dst(%dma_wait3A_119 : memref<4008xf32, #tpu.memory_space<vmem>>)
          tpu.yield
        }) : () -> ()
        "tpu.region"() ({
          %run_scoped3A = tpu.sem_alloc : memref<!tpu.dma_semaphore, #tpu.memory_space<semaphore_mem>>
          %dma_start3A_109 = arith.constant 0 : i32
          %dma_start3A_110 = tpu.memref_slice %arg18[%dma_start3A_109] : memref<7808xf32, #tpu.memory_space<vmem>> -> memref<4008xf32, #tpu.memory_space<vmem>>
          %dma_start3A_111 = arith.constant 501000 : i32
          %dma_start3A_112 = tpu.memref_slice %arg8[%dma_start3A_111] : memref<513024xf32, #tpu.memory_space<vmem_shared>> -> memref<4008xf32, #tpu.memory_space<vmem_shared>>
          %dma_start3A_113 = arith.constant 501000 : i32
          %dma_start3A_114 = tpu.memref_slice %arg8[%dma_start3A_113] : memref<513024xf32, #tpu.memory_space<vmem_shared>> -> memref<4008xf32, #tpu.memory_space<vmem_shared>>
          %dma_start3A_115 = arith.constant 0 : i32
          %dma_start3A_116 = tpu.memref_slice %arg18[%dma_start3A_115] : memref<7808xf32, #tpu.memory_space<vmem>> -> memref<4008xf32, #tpu.memory_space<vmem>>
          tpu.enqueue_dma source(%dma_start3A_116 : memref<4008xf32, #tpu.memory_space<vmem>>) target(%dma_start3A_114 : memref<4008xf32, #tpu.memory_space<vmem_shared>>) target_semaphore(%run_scoped3A : memref<!tpu.dma_semaphore, #tpu.memory_space<semaphore_mem>>)
          %dma_wait3A_117 = arith.constant 0 : i32
          %dma_wait3A_118 = tpu.memref_slice %arg18[%dma_wait3A_117] : memref<7808xf32, #tpu.memory_space<vmem>> -> memref<4008xf32, #tpu.memory_space<vmem>>
          %dma_wait3A_119 = arith.constant 501000 : i32
          %dma_wait3A_120 = tpu.memref_slice %arg8[%dma_wait3A_119] : memref<513024xf32, #tpu.memory_space<vmem_shared>> -> memref<4008xf32, #tpu.memory_space<vmem_shared>>
          %dma_wait3A_121 = arith.constant 501000 : i32
          %dma_wait3A_122 = tpu.memref_slice %arg8[%dma_wait3A_121] : memref<513024xf32, #tpu.memory_space<vmem_shared>> -> memref<4008xf32, #tpu.memory_space<vmem_shared>>
          %dma_wait3A_123 = arith.constant 0 : i32
          %dma_wait3A_124 = tpu.memref_slice %arg18[%dma_wait3A_123] : memref<7808xf32, #tpu.memory_space<vmem>> -> memref<4008xf32, #tpu.memory_space<vmem>>
          tpu.wait_dma2 semaphore(%run_scoped3A : memref<!tpu.dma_semaphore, #tpu.memory_space<semaphore_mem>>) src(%dma_wait3A_124 : memref<4008xf32, #tpu.memory_space<vmem>>) dst(%dma_wait3A_122 : memref<4008xf32, #tpu.memory_space<vmem_shared>>)
          tpu.yield
        }) : () -> ()
        %add3A_103 = arith.constant 24048 : i32
        %add3A_104 = arith.addi %multiple_of3A, %add3A_103 : i32
        %multiple_of3A_105 = tpu.assume_multiple %add3A_104, 8 : i32
        "tpu.region"() ({
          %run_scoped3A = tpu.sem_alloc : memref<!tpu.dma_semaphore, #tpu.memory_space<semaphore_mem>>
          %dma_start3A_109 = arith.constant 0 : i32
          %dma_start3A_110 = tpu.memref_slice %arg18[%dma_start3A_109] : memref<7808xf32, #tpu.memory_space<vmem>> -> memref<4008xf32, #tpu.memory_space<vmem>>
          %dma_start3A_111 = tpu.memref_slice %arg2[%multiple_of3A_105] : memref<2565000xf32, #tpu.memory_space<hbm>> -> memref<4008xf32, #tpu.memory_space<hbm>>
          %dma_start3A_112 = arith.constant 0 : i32
          %dma_start3A_113 = tpu.memref_slice %arg18[%dma_start3A_112] : memref<7808xf32, #tpu.memory_space<vmem>> -> memref<4008xf32, #tpu.memory_space<vmem>>
          %dma_start3A_114 = tpu.memref_slice %arg2[%multiple_of3A_105] : memref<2565000xf32, #tpu.memory_space<hbm>> -> memref<4008xf32, #tpu.memory_space<hbm>>
          tpu.enqueue_dma source(%dma_start3A_114 : memref<4008xf32, #tpu.memory_space<hbm>>) target(%dma_start3A_113 : memref<4008xf32, #tpu.memory_space<vmem>>) target_semaphore(%run_scoped3A : memref<!tpu.dma_semaphore, #tpu.memory_space<semaphore_mem>>)
          %dma_wait3A_115 = arith.constant 0 : i32
          %dma_wait3A_116 = tpu.memref_slice %arg18[%dma_wait3A_115] : memref<7808xf32, #tpu.memory_space<vmem>> -> memref<4008xf32, #tpu.memory_space<vmem>>
          %dma_wait3A_117 = tpu.memref_slice %arg2[%multiple_of3A_105] : memref<2565000xf32, #tpu.memory_space<hbm>> -> memref<4008xf32, #tpu.memory_space<hbm>>
          %dma_wait3A_118 = arith.constant 0 : i32
          %dma_wait3A_119 = tpu.memref_slice %arg18[%dma_wait3A_118] : memref<7808xf32, #tpu.memory_space<vmem>> -> memref<4008xf32, #tpu.memory_space<vmem>>
          %dma_wait3A_120 = tpu.memref_slice %arg2[%multiple_of3A_105] : memref<2565000xf32, #tpu.memory_space<hbm>> -> memref<4008xf32, #tpu.memory_space<hbm>>
          tpu.wait_dma2 semaphore(%run_scoped3A : memref<!tpu.dma_semaphore, #tpu.memory_space<semaphore_mem>>) src(%dma_wait3A_120 : memref<4008xf32, #tpu.memory_space<hbm>>) dst(%dma_wait3A_119 : memref<4008xf32, #tpu.memory_space<vmem>>)
          tpu.yield
        }) : () -> ()
        "tpu.region"() ({
          %run_scoped3A = tpu.sem_alloc : memref<!tpu.dma_semaphore, #tpu.memory_space<semaphore_mem>>
          %dma_start3A_109 = arith.constant 0 : i32
          %dma_start3A_110 = tpu.memref_slice %arg18[%dma_start3A_109] : memref<7808xf32, #tpu.memory_space<vmem>> -> memref<4008xf32, #tpu.memory_space<vmem>>
          %dma_start3A_111 = arith.constant 505008 : i32
          %dma_start3A_112 = tpu.memref_slice %arg8[%dma_start3A_111] : memref<513024xf32, #tpu.memory_space<vmem_shared>> -> memref<4008xf32, #tpu.memory_space<vmem_shared>>
          %dma_start3A_113 = arith.constant 505008 : i32
          %dma_start3A_114 = tpu.memref_slice %arg8[%dma_start3A_113] : memref<513024xf32, #tpu.memory_space<vmem_shared>> -> memref<4008xf32, #tpu.memory_space<vmem_shared>>
          %dma_start3A_115 = arith.constant 0 : i32
          %dma_start3A_116 = tpu.memref_slice %arg18[%dma_start3A_115] : memref<7808xf32, #tpu.memory_space<vmem>> -> memref<4008xf32, #tpu.memory_space<vmem>>
          tpu.enqueue_dma source(%dma_start3A_116 : memref<4008xf32, #tpu.memory_space<vmem>>) target(%dma_start3A_114 : memref<4008xf32, #tpu.memory_space<vmem_shared>>) target_semaphore(%run_scoped3A : memref<!tpu.dma_semaphore, #tpu.memory_space<semaphore_mem>>)
          %dma_wait3A_117 = arith.constant 0 : i32
          %dma_wait3A_118 = tpu.memref_slice %arg18[%dma_wait3A_117] : memref<7808xf32, #tpu.memory_space<vmem>> -> memref<4008xf32, #tpu.memory_space<vmem>>
          %dma_wait3A_119 = arith.constant 505008 : i32
          %dma_wait3A_120 = tpu.memref_slice %arg8[%dma_wait3A_119] : memref<513024xf32, #tpu.memory_space<vmem_shared>> -> memref<4008xf32, #tpu.memory_space<vmem_shared>>
          %dma_wait3A_121 = arith.constant 505008 : i32
          %dma_wait3A_122 = tpu.memref_slice %arg8[%dma_wait3A_121] : memref<513024xf32, #tpu.memory_space<vmem_shared>> -> memref<4008xf32, #tpu.memory_space<vmem_shared>>
          %dma_wait3A_123 = arith.constant 0 : i32
          %dma_wait3A_124 = tpu.memref_slice %arg18[%dma_wait3A_123] : memref<7808xf32, #tpu.memory_space<vmem>> -> memref<4008xf32, #tpu.memory_space<vmem>>
          tpu.wait_dma2 semaphore(%run_scoped3A : memref<!tpu.dma_semaphore, #tpu.memory_space<semaphore_mem>>) src(%dma_wait3A_124 : memref<4008xf32, #tpu.memory_space<vmem>>) dst(%dma_wait3A_122 : memref<4008xf32, #tpu.memory_space<vmem_shared>>)
          tpu.yield
        }) : () -> ()
        %add3A_106 = arith.constant 28056 : i32
        %add3A_107 = arith.addi %multiple_of3A, %add3A_106 : i32
        %multiple_of3A_108 = tpu.assume_multiple %add3A_107, 8 : i32
        "tpu.region"() ({
          %run_scoped3A = tpu.sem_alloc : memref<!tpu.dma_semaphore, #tpu.memory_space<semaphore_mem>>
          %dma_start3A_109 = arith.constant 0 : i32
          %dma_start3A_110 = tpu.memref_slice %arg18[%dma_start3A_109] : memref<7808xf32, #tpu.memory_space<vmem>> -> memref<3984xf32, #tpu.memory_space<vmem>>
          %dma_start3A_111 = tpu.memref_slice %arg2[%multiple_of3A_108] : memref<2565000xf32, #tpu.memory_space<hbm>> -> memref<3984xf32, #tpu.memory_space<hbm>>
          %dma_start3A_112 = arith.constant 0 : i32
          %dma_start3A_113 = tpu.memref_slice %arg18[%dma_start3A_112] : memref<7808xf32, #tpu.memory_space<vmem>> -> memref<3984xf32, #tpu.memory_space<vmem>>
          %dma_start3A_114 = tpu.memref_slice %arg2[%multiple_of3A_108] : memref<2565000xf32, #tpu.memory_space<hbm>> -> memref<3984xf32, #tpu.memory_space<hbm>>
          tpu.enqueue_dma source(%dma_start3A_114 : memref<3984xf32, #tpu.memory_space<hbm>>) target(%dma_start3A_113 : memref<3984xf32, #tpu.memory_space<vmem>>) target_semaphore(%run_scoped3A : memref<!tpu.dma_semaphore, #tpu.memory_space<semaphore_mem>>)
          %dma_wait3A_115 = arith.constant 0 : i32
          %dma_wait3A_116 = tpu.memref_slice %arg18[%dma_wait3A_115] : memref<7808xf32, #tpu.memory_space<vmem>> -> memref<3984xf32, #tpu.memory_space<vmem>>
          %dma_wait3A_117 = tpu.memref_slice %arg2[%multiple_of3A_108] : memref<2565000xf32, #tpu.memory_space<hbm>> -> memref<3984xf32, #tpu.memory_space<hbm>>
          %dma_wait3A_118 = arith.constant 0 : i32
          %dma_wait3A_119 = tpu.memref_slice %arg18[%dma_wait3A_118] : memref<7808xf32, #tpu.memory_space<vmem>> -> memref<3984xf32, #tpu.memory_space<vmem>>
          %dma_wait3A_120 = tpu.memref_slice %arg2[%multiple_of3A_108] : memref<2565000xf32, #tpu.memory_space<hbm>> -> memref<3984xf32, #tpu.memory_space<hbm>>
          tpu.wait_dma2 semaphore(%run_scoped3A : memref<!tpu.dma_semaphore, #tpu.memory_space<semaphore_mem>>) src(%dma_wait3A_120 : memref<3984xf32, #tpu.memory_space<hbm>>) dst(%dma_wait3A_119 : memref<3984xf32, #tpu.memory_space<vmem>>)
          tpu.yield
        }) : () -> ()
        "tpu.region"() ({
          %run_scoped3A = tpu.sem_alloc : memref<!tpu.dma_semaphore, #tpu.memory_space<semaphore_mem>>
          %dma_start3A_109 = arith.constant 0 : i32
          %dma_start3A_110 = tpu.memref_slice %arg18[%dma_start3A_109] : memref<7808xf32, #tpu.memory_space<vmem>> -> memref<3984xf32, #tpu.memory_space<vmem>>
          %dma_start3A_111 = arith.constant 509016 : i32
          %dma_start3A_112 = tpu.memref_slice %arg8[%dma_start3A_111] : memref<513024xf32, #tpu.memory_space<vmem_shared>> -> memref<3984xf32, #tpu.memory_space<vmem_shared>>
          %dma_start3A_113 = arith.constant 509016 : i32
          %dma_start3A_114 = tpu.memref_slice %arg8[%dma_start3A_113] : memref<513024xf32, #tpu.memory_space<vmem_shared>> -> memref<3984xf32, #tpu.memory_space<vmem_shared>>
          %dma_start3A_115 = arith.constant 0 : i32
          %dma_start3A_116 = tpu.memref_slice %arg18[%dma_start3A_115] : memref<7808xf32, #tpu.memory_space<vmem>> -> memref<3984xf32, #tpu.memory_space<vmem>>
          tpu.enqueue_dma source(%dma_start3A_116 : memref<3984xf32, #tpu.memory_space<vmem>>) target(%dma_start3A_114 : memref<3984xf32, #tpu.memory_space<vmem_shared>>) target_semaphore(%run_scoped3A : memref<!tpu.dma_semaphore, #tpu.memory_space<semaphore_mem>>)
          %dma_wait3A_117 = arith.constant 0 : i32
          %dma_wait3A_118 = tpu.memref_slice %arg18[%dma_wait3A_117] : memref<7808xf32, #tpu.memory_space<vmem>> -> memref<3984xf32, #tpu.memory_space<vmem>>
          %dma_wait3A_119 = arith.constant 509016 : i32
          %dma_wait3A_120 = tpu.memref_slice %arg8[%dma_wait3A_119] : memref<513024xf32, #tpu.memory_space<vmem_shared>> -> memref<3984xf32, #tpu.memory_space<vmem_shared>>
          %dma_wait3A_121 = arith.constant 509016 : i32
          %dma_wait3A_122 = tpu.memref_slice %arg8[%dma_wait3A_121] : memref<513024xf32, #tpu.memory_space<vmem_shared>> -> memref<3984xf32, #tpu.memory_space<vmem_shared>>
          %dma_wait3A_123 = arith.constant 0 : i32
          %dma_wait3A_124 = tpu.memref_slice %arg18[%dma_wait3A_123] : memref<7808xf32, #tpu.memory_space<vmem>> -> memref<3984xf32, #tpu.memory_space<vmem>>
          tpu.wait_dma2 semaphore(%run_scoped3A : memref<!tpu.dma_semaphore, #tpu.memory_space<semaphore_mem>>) src(%dma_wait3A_124 : memref<3984xf32, #tpu.memory_space<vmem>>) dst(%dma_wait3A_122 : memref<3984xf32, #tpu.memory_space<vmem_shared>>)
          tpu.yield
        }) : () -> ()
      } else {
      }
      %barrier3A = arith.constant 0 : index
      tpu.barrier barrier_id(%barrier3A)
      %add3A_33 = arith.constant 0 : i32
      %add3A_34 = arith.addi %add3A, %add3A_33 : i32
      %mul3A_35 = arith.constant 7808 : i32
      %mul3A_36 = arith.muli %add3A_34, %mul3A_35 : i32
      %multiple_of3A_37 = tpu.assume_multiple %mul3A_36, 8 : i32
      %dma_start3A = tpu.memref_slice %arg3[%multiple_of3A_37] : memref<4000000xi32, #tpu.memory_space<hbm>> -> memref<7808xi32, #tpu.memory_space<hbm>>
      %dma_start3A_38 = tpu.memref_slice %arg3[%multiple_of3A_37] : memref<4000000xi32, #tpu.memory_space<hbm>> -> memref<7808xi32, #tpu.memory_space<hbm>>
      tpu.enqueue_dma source(%dma_start3A_38 : memref<7808xi32, #tpu.memory_space<hbm>>) target(%arg11 : memref<7808xi32, #tpu.memory_space<vmem>>) target_semaphore(%arg26 : memref<!tpu.dma_semaphore, #tpu.memory_space<semaphore_mem>>)
      %dma_start3A_39 = tpu.memref_slice %arg4[%multiple_of3A_37] : memref<4000000xi32, #tpu.memory_space<hbm>> -> memref<7808xi32, #tpu.memory_space<hbm>>
      %dma_start3A_40 = tpu.memref_slice %arg4[%multiple_of3A_37] : memref<4000000xi32, #tpu.memory_space<hbm>> -> memref<7808xi32, #tpu.memory_space<hbm>>
      tpu.enqueue_dma source(%dma_start3A_40 : memref<7808xi32, #tpu.memory_space<hbm>>) target(%arg13 : memref<7808xi32, #tpu.memory_space<vmem>>) target_semaphore(%arg26 : memref<!tpu.dma_semaphore, #tpu.memory_space<semaphore_mem>>)
      %dma_start3A_41 = tpu.memref_slice %arg5[%multiple_of3A_37] : memref<4000000xf32, #tpu.memory_space<hbm>> -> memref<7808xf32, #tpu.memory_space<hbm>>
      %dma_start3A_42 = tpu.memref_slice %arg5[%multiple_of3A_37] : memref<4000000xf32, #tpu.memory_space<hbm>> -> memref<7808xf32, #tpu.memory_space<hbm>>
      tpu.enqueue_dma source(%dma_start3A_42 : memref<7808xf32, #tpu.memory_space<hbm>>) target(%arg15 : memref<7808xf32, #tpu.memory_space<vmem>>) target_semaphore(%arg26 : memref<!tpu.dma_semaphore, #tpu.memory_space<semaphore_mem>>)
      %scan3A_43 = arith.constant 0 : i32
      %scan3A_44 = arith.constant 0 : i32
      %scan3A_45 = arith.constant 8 : i32
      %scan3A_46 = arith.addi %scan3A_44, %scan3A_45 : i32
      %scan3A_47 = arith.constant 1 : i32
      scf.for %scan3A_85 = %scan3A_44 to %scan3A_46 step %scan3A_47  : i32 {
        %mul3A_86 = arith.constant 2 : i32
        %mul3A_87 = arith.muli %mul3A_86, %scan3A_85 : i32
        %add3A_88 = arith.addi %add3A, %mul3A_87 : i32
        %mul3A_89 = arith.constant 7808 : i32
        %mul3A_90 = arith.muli %add3A_88, %mul3A_89 : i32
        %multiple_of3A_91 = tpu.assume_multiple %mul3A_90, 8 : i32
        %dma_wait3A_92 = tpu.memref_slice %arg3[%multiple_of3A_91] : memref<4000000xi32, #tpu.memory_space<hbm>> -> memref<7808xi32, #tpu.memory_space<hbm>>
        %dma_wait3A_93 = tpu.memref_slice %arg3[%multiple_of3A_91] : memref<4000000xi32, #tpu.memory_space<hbm>> -> memref<7808xi32, #tpu.memory_space<hbm>>
        tpu.wait_dma2 semaphore(%arg26 : memref<!tpu.dma_semaphore, #tpu.memory_space<semaphore_mem>>) src(%dma_wait3A_93 : memref<7808xi32, #tpu.memory_space<hbm>>) dst(%arg11 : memref<7808xi32, #tpu.memory_space<vmem>>)
        %dma_wait3A_94 = tpu.memref_slice %arg4[%multiple_of3A_91] : memref<4000000xi32, #tpu.memory_space<hbm>> -> memref<7808xi32, #tpu.memory_space<hbm>>
        %dma_wait3A_95 = tpu.memref_slice %arg4[%multiple_of3A_91] : memref<4000000xi32, #tpu.memory_space<hbm>> -> memref<7808xi32, #tpu.memory_space<hbm>>
        tpu.wait_dma2 semaphore(%arg26 : memref<!tpu.dma_semaphore, #tpu.memory_space<semaphore_mem>>) src(%dma_wait3A_95 : memref<7808xi32, #tpu.memory_space<hbm>>) dst(%arg13 : memref<7808xi32, #tpu.memory_space<vmem>>)
        %dma_wait3A_96 = tpu.memref_slice %arg5[%multiple_of3A_91] : memref<4000000xf32, #tpu.memory_space<hbm>> -> memref<7808xf32, #tpu.memory_space<hbm>>
        %dma_wait3A_97 = tpu.memref_slice %arg5[%multiple_of3A_91] : memref<4000000xf32, #tpu.memory_space<hbm>> -> memref<7808xf32, #tpu.memory_space<hbm>>
        tpu.wait_dma2 semaphore(%arg26 : memref<!tpu.dma_semaphore, #tpu.memory_space<semaphore_mem>>) src(%dma_wait3A_97 : memref<7808xf32, #tpu.memory_space<hbm>>) dst(%arg15 : memref<7808xf32, #tpu.memory_space<vmem>>)
        %dma_start3A_98 = arith.constant 0 : i32
        %dma_start3A_99 = tpu.memref_slice %arg8[%dma_start3A_98] : memref<513024xf32, #tpu.memory_space<vmem_shared>> -> memref<513024xf32, #tpu.memory_space<vmem_shared>>
        tpu.enqueue_indirect_dma source(%dma_start3A_99 : memref<513024xf32, #tpu.memory_space<vmem_shared>>) target(%arg17 : memref<7808xf32, #tpu.memory_space<vmem>>) offsets(%arg13 : memref<7808xi32, #tpu.memory_space<vmem>>) semaphore(%arg28 : memref<!tpu.dma_semaphore, #tpu.memory_space<semaphore_mem>>)
        %gt3A = arith.constant 0 : i32
        %gt3A_100 = arith.cmpi sgt, %mul3A_87, %gt3A : i32
        %convert_element_type3A_101 = arith.extui %gt3A_100 : i1 to i32
        %cond3A_102 = arith.constant 0 : i32
        %cond3A_103 = arith.cmpi ne, %convert_element_type3A_101, %cond3A_102 : i32
        scf.if %cond3A_103 {
          %dma_wait3A_161 = arith.constant 0 : i32
          %dma_wait3A_162 = tpu.memref_slice %arg9[%dma_wait3A_161] : memref<131072xf32, #tpu.memory_space<vmem_shared>> -> memref<131072xf32, #tpu.memory_space<vmem_shared>>
          tpu.wait_indirect_dma semaphore(%arg30 : memref<!tpu.dma_semaphore, #tpu.memory_space<semaphore_mem>>) src(%arg19 : memref<7808xf32, #tpu.memory_space<vmem>>) dst(%dma_wait3A_162 : memref<131072xf32, #tpu.memory_space<vmem_shared>>)
          %convert_element_type3A_163 = arith.extui %eq3A_9 : i1 to i32
          %cond3A_164 = arith.constant 0 : i32
          %cond3A_165 = arith.cmpi ne, %convert_element_type3A_163, %cond3A_164 : i32
          scf.if %cond3A_165 {
            %dma_wait3A_166 = arith.constant 0 : i32
            %dma_wait3A_167 = tpu.memref_slice %arg10[%dma_wait3A_166] : memref<131072xf32, #tpu.memory_space<vmem_shared>> -> memref<131072xf32, #tpu.memory_space<vmem_shared>>
            tpu.wait_indirect_dma semaphore(%arg32 : memref<!tpu.dma_semaphore, #tpu.memory_space<semaphore_mem>>) src(%arg16 : memref<7808xf32, #tpu.memory_space<vmem>>) dst(%dma_wait3A_167 : memref<131072xf32, #tpu.memory_space<vmem_shared>>)
          } else {
          }
        } else {
        }
        %lt3A_104 = arith.constant 15 : i32
        %lt3A_105 = arith.cmpi slt, %mul3A_87, %lt3A_104 : i32
        %convert_element_type3A_106 = arith.extui %lt3A_105 : i1 to i32
        %cond3A_107 = arith.constant 0 : i32
        %cond3A_108 = arith.cmpi ne, %convert_element_type3A_106, %cond3A_107 : i32
        scf.if %cond3A_108 {
          %add3A_161 = arith.constant 1 : i32
          %add3A_162 = arith.addi %mul3A_87, %add3A_161 : i32
          %add3A_163 = arith.addi %add3A, %add3A_162 : i32
          %mul3A_164 = arith.constant 7808 : i32
          %mul3A_165 = arith.muli %add3A_163, %mul3A_164 : i32
          %multiple_of3A_166 = tpu.assume_multiple %mul3A_165, 8 : i32
          %dma_start3A_167 = tpu.memref_slice %arg3[%multiple_of3A_166] : memref<4000000xi32, #tpu.memory_space<hbm>> -> memref<7808xi32, #tpu.memory_space<hbm>>
          %dma_start3A_168 = tpu.memref_slice %arg3[%multiple_of3A_166] : memref<4000000xi32, #tpu.memory_space<hbm>> -> memref<7808xi32, #tpu.memory_space<hbm>>
          tpu.enqueue_dma source(%dma_start3A_168 : memref<7808xi32, #tpu.memory_space<hbm>>) target(%arg12 : memref<7808xi32, #tpu.memory_space<vmem>>) target_semaphore(%arg27 : memref<!tpu.dma_semaphore, #tpu.memory_space<semaphore_mem>>)
          %dma_start3A_169 = tpu.memref_slice %arg4[%multiple_of3A_166] : memref<4000000xi32, #tpu.memory_space<hbm>> -> memref<7808xi32, #tpu.memory_space<hbm>>
          %dma_start3A_170 = tpu.memref_slice %arg4[%multiple_of3A_166] : memref<4000000xi32, #tpu.memory_space<hbm>> -> memref<7808xi32, #tpu.memory_space<hbm>>
          tpu.enqueue_dma source(%dma_start3A_170 : memref<7808xi32, #tpu.memory_space<hbm>>) target(%arg14 : memref<7808xi32, #tpu.memory_space<vmem>>) target_semaphore(%arg27 : memref<!tpu.dma_semaphore, #tpu.memory_space<semaphore_mem>>)
          %dma_start3A_171 = tpu.memref_slice %arg5[%multiple_of3A_166] : memref<4000000xf32, #tpu.memory_space<hbm>> -> memref<7808xf32, #tpu.memory_space<hbm>>
          %dma_start3A_172 = tpu.memref_slice %arg5[%multiple_of3A_166] : memref<4000000xf32, #tpu.memory_space<hbm>> -> memref<7808xf32, #tpu.memory_space<hbm>>
          tpu.enqueue_dma source(%dma_start3A_172 : memref<7808xf32, #tpu.memory_space<hbm>>) target(%arg16 : memref<7808xf32, #tpu.memory_space<vmem>>) target_semaphore(%arg27 : memref<!tpu.dma_semaphore, #tpu.memory_space<semaphore_mem>>)
        } else {
        }
        %dma_wait3A_109 = arith.constant 0 : i32
        %dma_wait3A_110 = tpu.memref_slice %arg8[%dma_wait3A_109] : memref<513024xf32, #tpu.memory_space<vmem_shared>> -> memref<513024xf32, #tpu.memory_space<vmem_shared>>
        tpu.wait_indirect_dma semaphore(%arg28 : memref<!tpu.dma_semaphore, #tpu.memory_space<semaphore_mem>>) src(%dma_wait3A_110 : memref<513024xf32, #tpu.memory_space<vmem_shared>>) dst(%arg17 : memref<7808xf32, #tpu.memory_space<vmem>>)
        %scan3A_111 = arith.constant 0 : i32
        %scan3A_112 = arith.constant 0 : i32
        %scan3A_113 = arith.constant 122 : i32
        %scan3A_114 = arith.addi %scan3A_112, %scan3A_113 : i32
        %scan3A_115 = arith.constant 1 : i32
        scf.for %scan3A_161 = %scan3A_112 to %scan3A_114 step %scan3A_115  : i32 {
          %mul3A_162 = arith.constant 64 : i32
          %mul3A_163 = arith.muli %scan3A_161, %mul3A_162 : i32
          %multiple_of3A_164 = tpu.assume_multiple %mul3A_163, 16 : i32
          %add3A_165 = arith.constant 0 : i32
          %add3A_166 = arith.addi %multiple_of3A_164, %add3A_165 : i32
          %get3A = arith.index_cast %add3A_166 : i32 to index
          %get3A_167 = tpu.vector_load %arg15[%get3A] {strides = array<i32>} : memref<7808xf32, #tpu.memory_space<vmem>>, vector<16xf32>,
          %get3A_168 = vector.shape_cast %get3A_167 : vector<16xf32> to vector<16xf32>
          %get3A_169 = arith.index_cast %add3A_166 : i32 to index
          %get3A_170 = tpu.vector_load %arg17[%get3A_169] {strides = array<i32>} : memref<7808xf32, #tpu.memory_space<vmem>>, vector<16xf32>,
          %get3A_171 = vector.shape_cast %get3A_170 : vector<16xf32> to vector<16xf32>
          %mul3A_172 = arith.mulf %get3A_168, %get3A_171 : vector<16xf32>
          %swap3A = arith.index_cast %add3A_166 : i32 to index
          %swap3A_173 = tpu.vector_load %arg18[%swap3A] {strides = array<i32>} : memref<7808xf32, #tpu.memory_space<vmem>>, vector<16xf32>,
          %swap3A_174 = vector.shape_cast %swap3A_173 : vector<16xf32> to vector<16xf32>
          %swap3A_175 = vector.shape_cast %mul3A_172 : vector<16xf32> to vector<16xf32>
          tpu.vector_store %arg18[%swap3A], %swap3A_175 {strides = array<i32>} : memref<7808xf32, #tpu.memory_space<vmem>>, vector<16xf32>,
          %add3A_176 = arith.constant 16 : i32
          %add3A_177 = arith.addi %multiple_of3A_164, %add3A_176 : i32
          %get3A_178 = arith.index_cast %add3A_177 : i32 to index
          %get3A_179 = tpu.vector_load %arg15[%get3A_178] {strides = array<i32>} : memref<7808xf32, #tpu.memory_space<vmem>>, vector<16xf32>,
          %get3A_180 = vector.shape_cast %get3A_179 : vector<16xf32> to vector<16xf32>
          %get3A_181 = arith.index_cast %add3A_177 : i32 to index
          %get3A_182 = tpu.vector_load %arg17[%get3A_181] {strides = array<i32>} : memref<7808xf32, #tpu.memory_space<vmem>>, vector<16xf32>,
          %get3A_183 = vector.shape_cast %get3A_182 : vector<16xf32> to vector<16xf32>
          %mul3A_184 = arith.mulf %get3A_180, %get3A_183 : vector<16xf32>
          %swap3A_185 = arith.index_cast %add3A_177 : i32 to index
          %swap3A_186 = tpu.vector_load %arg18[%swap3A_185] {strides = array<i32>} : memref<7808xf32, #tpu.memory_space<vmem>>, vector<16xf32>,
          %swap3A_187 = vector.shape_cast %swap3A_186 : vector<16xf32> to vector<16xf32>
          %swap3A_188 = vector.shape_cast %mul3A_184 : vector<16xf32> to vector<16xf32>
          tpu.vector_store %arg18[%swap3A_185], %swap3A_188 {strides = array<i32>} : memref<7808xf32, #tpu.memory_space<vmem>>, vector<16xf32>,
          %add3A_189 = arith.constant 32 : i32
          %add3A_190 = arith.addi %multiple_of3A_164, %add3A_189 : i32
          %get3A_191 = arith.index_cast %add3A_190 : i32 to index
          %get3A_192 = tpu.vector_load %arg15[%get3A_191] {strides = array<i32>} : memref<7808xf32, #tpu.memory_space<vmem>>, vector<16xf32>,
          %get3A_193 = vector.shape_cast %get3A_192 : vector<16xf32> to vector<16xf32>
          %get3A_194 = arith.index_cast %add3A_190 : i32 to index
          %get3A_195 = tpu.vector_load %arg17[%get3A_194] {strides = array<i32>} : memref<7808xf32, #tpu.memory_space<vmem>>, vector<16xf32>,
          %get3A_196 = vector.shape_cast %get3A_195 : vector<16xf32> to vector<16xf32>
          %mul3A_197 = arith.mulf %get3A_193, %get3A_196 : vector<16xf32>
          %swap3A_198 = arith.index_cast %add3A_190 : i32 to index
          %swap3A_199 = tpu.vector_load %arg18[%swap3A_198] {strides = array<i32>} : memref<7808xf32, #tpu.memory_space<vmem>>, vector<16xf32>,
          %swap3A_200 = vector.shape_cast %swap3A_199 : vector<16xf32> to vector<16xf32>
          %swap3A_201 = vector.shape_cast %mul3A_197 : vector<16xf32> to vector<16xf32>
          tpu.vector_store %arg18[%swap3A_198], %swap3A_201 {strides = array<i32>} : memref<7808xf32, #tpu.memory_space<vmem>>, vector<16xf32>,
          %add3A_202 = arith.constant 48 : i32
          %add3A_203 = arith.addi %multiple_of3A_164, %add3A_202 : i32
          %get3A_204 = arith.index_cast %add3A_203 : i32 to index
          %get3A_205 = tpu.vector_load %arg15[%get3A_204] {strides = array<i32>} : memref<7808xf32, #tpu.memory_space<vmem>>, vector<16xf32>,
          %get3A_206 = vector.shape_cast %get3A_205 : vector<16xf32> to vector<16xf32>
          %get3A_207 = arith.index_cast %add3A_203 : i32 to index
          %get3A_208 = tpu.vector_load %arg17[%get3A_207] {strides = array<i32>} : memref<7808xf32, #tpu.memory_space<vmem>>, vector<16xf32>,
          %get3A_209 = vector.shape_cast %get3A_208 : vector<16xf32> to vector<16xf32>
          %mul3A_210 = arith.mulf %get3A_206, %get3A_209 : vector<16xf32>
          %swap3A_211 = arith.index_cast %add3A_203 : i32 to index
          %swap3A_212 = tpu.vector_load %arg18[%swap3A_211] {strides = array<i32>} : memref<7808xf32, #tpu.memory_space<vmem>>, vector<16xf32>,
          %swap3A_213 = vector.shape_cast %swap3A_212 : vector<16xf32> to vector<16xf32>
          %swap3A_214 = vector.shape_cast %mul3A_210 : vector<16xf32> to vector<16xf32>
          tpu.vector_store %arg18[%swap3A_211], %swap3A_214 {strides = array<i32>} : memref<7808xf32, #tpu.memory_space<vmem>>, vector<16xf32>,
        }
        %scan3A_116 = arith.constant 122 : i32
        %dma_start3A_117 = arith.constant 0 : i32
        %dma_start3A_118 = tpu.memref_slice %arg9[%dma_start3A_117] : memref<131072xf32, #tpu.memory_space<vmem_shared>> -> memref<131072xf32, #tpu.memory_space<vmem_shared>>
        tpu.enqueue_indirect_dma source(%arg18 : memref<7808xf32, #tpu.memory_space<vmem>>) target(%dma_start3A_118 : memref<131072xf32, #tpu.memory_space<vmem_shared>>) offsets(%arg11 : memref<7808xi32, #tpu.memory_space<vmem>>) semaphore(%arg29 : memref<!tpu.dma_semaphore, #tpu.memory_space<semaphore_mem>>) {add = true}
        %convert_element_type3A_119 = arith.extui %eq3A_9 : i1 to i32
        %cond3A_120 = arith.constant 0 : i32
        %cond3A_121 = arith.cmpi ne, %convert_element_type3A_119, %cond3A_120 : i32
        scf.if %cond3A_121 {
          %dma_start3A_161 = arith.constant 0 : i32
          %dma_start3A_162 = tpu.memref_slice %arg10[%dma_start3A_161] : memref<131072xf32, #tpu.memory_space<vmem_shared>> -> memref<131072xf32, #tpu.memory_space<vmem_shared>>
          tpu.enqueue_indirect_dma source(%arg15 : memref<7808xf32, #tpu.memory_space<vmem>>) target(%dma_start3A_162 : memref<131072xf32, #tpu.memory_space<vmem_shared>>) offsets(%arg11 : memref<7808xi32, #tpu.memory_space<vmem>>) semaphore(%arg31 : memref<!tpu.dma_semaphore, #tpu.memory_space<semaphore_mem>>) {add = true}
        } else {
        }
        %mul3A_122 = arith.constant 2 : i32
        %mul3A_123 = arith.muli %mul3A_122, %scan3A_85 : i32
        %add3A_124 = arith.constant 1 : i32
        %add3A_125 = arith.addi %mul3A_123, %add3A_124 : i32
        %add3A_126 = arith.addi %add3A, %add3A_125 : i32
        %mul3A_127 = arith.constant 7808 : i32
        %mul3A_128 = arith.muli %add3A_126, %mul3A_127 : i32
        %multiple_of3A_129 = tpu.assume_multiple %mul3A_128, 8 : i32
        %dma_wait3A_130 = tpu.memref_slice %arg3[%multiple_of3A_129] : memref<4000000xi32, #tpu.memory_space<hbm>> -> memref<7808xi32, #tpu.memory_space<hbm>>
        %dma_wait3A_131 = tpu.memref_slice %arg3[%multiple_of3A_129] : memref<4000000xi32, #tpu.memory_space<hbm>> -> memref<7808xi32, #tpu.memory_space<hbm>>
        tpu.wait_dma2 semaphore(%arg27 : memref<!tpu.dma_semaphore, #tpu.memory_space<semaphore_mem>>) src(%dma_wait3A_131 : memref<7808xi32, #tpu.memory_space<hbm>>) dst(%arg12 : memref<7808xi32, #tpu.memory_space<vmem>>)
        %dma_wait3A_132 = tpu.memref_slice %arg4[%multiple_of3A_129] : memref<4000000xi32, #tpu.memory_space<hbm>> -> memref<7808xi32, #tpu.memory_space<hbm>>
        %dma_wait3A_133 = tpu.memref_slice %arg4[%multiple_of3A_129] : memref<4000000xi32, #tpu.memory_space<hbm>> -> memref<7808xi32, #tpu.memory_space<hbm>>
        tpu.wait_dma2 semaphore(%arg27 : memref<!tpu.dma_semaphore, #tpu.memory_space<semaphore_mem>>) src(%dma_wait3A_133 : memref<7808xi32, #tpu.memory_space<hbm>>) dst(%arg14 : memref<7808xi32, #tpu.memory_space<vmem>>)
        %dma_wait3A_134 = tpu.memref_slice %arg5[%multiple_of3A_129] : memref<4000000xf32, #tpu.memory_space<hbm>> -> memref<7808xf32, #tpu.memory_space<hbm>>
        %dma_wait3A_135 = tpu.memref_slice %arg5[%multiple_of3A_129] : memref<4000000xf32, #tpu.memory_space<hbm>> -> memref<7808xf32, #tpu.memory_space<hbm>>
        tpu.wait_dma2 semaphore(%arg27 : memref<!tpu.dma_semaphore, #tpu.memory_space<semaphore_mem>>) src(%dma_wait3A_135 : memref<7808xf32, #tpu.memory_space<hbm>>) dst(%arg16 : memref<7808xf32, #tpu.memory_space<vmem>>)
        %dma_start3A_136 = arith.constant 0 : i32
        %dma_start3A_137 = tpu.memref_slice %arg8[%dma_start3A_136] : memref<513024xf32, #tpu.memory_space<vmem_shared>> -> memref<513024xf32, #tpu.memory_space<vmem_shared>>
        tpu.enqueue_indirect_dma source(%dma_start3A_137 : memref<513024xf32, #tpu.memory_space<vmem_shared>>) target(%arg17 : memref<7808xf32, #tpu.memory_space<vmem>>) offsets(%arg14 : memref<7808xi32, #tpu.memory_space<vmem>>) semaphore(%arg28 : memref<!tpu.dma_semaphore, #tpu.memory_space<semaphore_mem>>)
        %gt3A_138 = arith.constant 0 : i32
        %gt3A_139 = arith.cmpi sgt, %add3A_125, %gt3A_138 : i32
        %convert_element_type3A_140 = arith.extui %gt3A_139 : i1 to i32
        %cond3A_141 = arith.constant 0 : i32
        %cond3A_142 = arith.cmpi ne, %convert_element_type3A_140, %cond3A_141 : i32
        scf.if %cond3A_142 {
          %dma_wait3A_161 = arith.constant 0 : i32
          %dma_wait3A_162 = tpu.memref_slice %arg9[%dma_wait3A_161] : memref<131072xf32, #tpu.memory_space<vmem_shared>> -> memref<131072xf32, #tpu.memory_space<vmem_shared>>
          tpu.wait_indirect_dma semaphore(%arg29 : memref<!tpu.dma_semaphore, #tpu.memory_space<semaphore_mem>>) src(%arg18 : memref<7808xf32, #tpu.memory_space<vmem>>) dst(%dma_wait3A_162 : memref<131072xf32, #tpu.memory_space<vmem_shared>>)
          %convert_element_type3A_163 = arith.extui %eq3A_9 : i1 to i32
          %cond3A_164 = arith.constant 0 : i32
          %cond3A_165 = arith.cmpi ne, %convert_element_type3A_163, %cond3A_164 : i32
          scf.if %cond3A_165 {
            %dma_wait3A_166 = arith.constant 0 : i32
            %dma_wait3A_167 = tpu.memref_slice %arg10[%dma_wait3A_166] : memref<131072xf32, #tpu.memory_space<vmem_shared>> -> memref<131072xf32, #tpu.memory_space<vmem_shared>>
            tpu.wait_indirect_dma semaphore(%arg31 : memref<!tpu.dma_semaphore, #tpu.memory_space<semaphore_mem>>) src(%arg15 : memref<7808xf32, #tpu.memory_space<vmem>>) dst(%dma_wait3A_167 : memref<131072xf32, #tpu.memory_space<vmem_shared>>)
          } else {
          }
        } else {
        }
        %lt3A_143 = arith.constant 15 : i32
        %lt3A_144 = arith.cmpi slt, %add3A_125, %lt3A_143 : i32
        %convert_element_type3A_145 = arith.extui %lt3A_144 : i1 to i32
        %cond3A_146 = arith.constant 0 : i32
        %cond3A_147 = arith.cmpi ne, %convert_element_type3A_145, %cond3A_146 : i32
        scf.if %cond3A_147 {
          %add3A_161 = arith.constant 1 : i32
          %add3A_162 = arith.addi %add3A_125, %add3A_161 : i32
          %add3A_163 = arith.addi %add3A, %add3A_162 : i32
          %mul3A_164 = arith.constant 7808 : i32
          %mul3A_165 = arith.muli %add3A_163, %mul3A_164 : i32
          %multiple_of3A_166 = tpu.assume_multiple %mul3A_165, 8 : i32
          %dma_start3A_167 = tpu.memref_slice %arg3[%multiple_of3A_166] : memref<4000000xi32, #tpu.memory_space<hbm>> -> memref<7808xi32, #tpu.memory_space<hbm>>
          %dma_start3A_168 = tpu.memref_slice %arg3[%multiple_of3A_166] : memref<4000000xi32, #tpu.memory_space<hbm>> -> memref<7808xi32, #tpu.memory_space<hbm>>
          tpu.enqueue_dma source(%dma_start3A_168 : memref<7808xi32, #tpu.memory_space<hbm>>) target(%arg11 : memref<7808xi32, #tpu.memory_space<vmem>>) target_semaphore(%arg26 : memref<!tpu.dma_semaphore, #tpu.memory_space<semaphore_mem>>)
          %dma_start3A_169 = tpu.memref_slice %arg4[%multiple_of3A_166] : memref<4000000xi32, #tpu.memory_space<hbm>> -> memref<7808xi32, #tpu.memory_space<hbm>>
          %dma_start3A_170 = tpu.memref_slice %arg4[%multiple_of3A_166] : memref<4000000xi32, #tpu.memory_space<hbm>> -> memref<7808xi32, #tpu.memory_space<hbm>>
          tpu.enqueue_dma source(%dma_start3A_170 : memref<7808xi32, #tpu.memory_space<hbm>>) target(%arg13 : memref<7808xi32, #tpu.memory_space<vmem>>) target_semaphore(%arg26 : memref<!tpu.dma_semaphore, #tpu.memory_space<semaphore_mem>>)
          %dma_start3A_171 = tpu.memref_slice %arg5[%multiple_of3A_166] : memref<4000000xf32, #tpu.memory_space<hbm>> -> memref<7808xf32, #tpu.memory_space<hbm>>
          %dma_start3A_172 = tpu.memref_slice %arg5[%multiple_of3A_166] : memref<4000000xf32, #tpu.memory_space<hbm>> -> memref<7808xf32, #tpu.memory_space<hbm>>
          tpu.enqueue_dma source(%dma_start3A_172 : memref<7808xf32, #tpu.memory_space<hbm>>) target(%arg15 : memref<7808xf32, #tpu.memory_space<vmem>>) target_semaphore(%arg26 : memref<!tpu.dma_semaphore, #tpu.memory_space<semaphore_mem>>)
        } else {
        }
        %dma_wait3A_148 = arith.constant 0 : i32
        %dma_wait3A_149 = tpu.memref_slice %arg8[%dma_wait3A_148] : memref<513024xf32, #tpu.memory_space<vmem_shared>> -> memref<513024xf32, #tpu.memory_space<vmem_shared>>
        tpu.wait_indirect_dma semaphore(%arg28 : memref<!tpu.dma_semaphore, #tpu.memory_space<semaphore_mem>>) src(%dma_wait3A_149 : memref<513024xf32, #tpu.memory_space<vmem_shared>>) dst(%arg17 : memref<7808xf32, #tpu.memory_space<vmem>>)
        %scan3A_150 = arith.constant 0 : i32
        %scan3A_151 = arith.constant 0 : i32
        %scan3A_152 = arith.constant 122 : i32
        %scan3A_153 = arith.addi %scan3A_151, %scan3A_152 : i32
        %scan3A_154 = arith.constant 1 : i32
        scf.for %scan3A_161 = %scan3A_151 to %scan3A_153 step %scan3A_154  : i32 {
          %mul3A_162 = arith.constant 64 : i32
          %mul3A_163 = arith.muli %scan3A_161, %mul3A_162 : i32
          %multiple_of3A_164 = tpu.assume_multiple %mul3A_163, 16 : i32
          %add3A_165 = arith.constant 0 : i32
          %add3A_166 = arith.addi %multiple_of3A_164, %add3A_165 : i32
          %get3A = arith.index_cast %add3A_166 : i32 to index
          %get3A_167 = tpu.vector_load %arg16[%get3A] {strides = array<i32>} : memref<7808xf32, #tpu.memory_space<vmem>>, vector<16xf32>,
          %get3A_168 = vector.shape_cast %get3A_167 : vector<16xf32> to vector<16xf32>
          %get3A_169 = arith.index_cast %add3A_166 : i32 to index
          %get3A_170 = tpu.vector_load %arg17[%get3A_169] {strides = array<i32>} : memref<7808xf32, #tpu.memory_space<vmem>>, vector<16xf32>,
          %get3A_171 = vector.shape_cast %get3A_170 : vector<16xf32> to vector<16xf32>
          %mul3A_172 = arith.mulf %get3A_168, %get3A_171 : vector<16xf32>
          %swap3A = arith.index_cast %add3A_166 : i32 to index
          %swap3A_173 = tpu.vector_load %arg19[%swap3A] {strides = array<i32>} : memref<7808xf32, #tpu.memory_space<vmem>>, vector<16xf32>,
          %swap3A_174 = vector.shape_cast %swap3A_173 : vector<16xf32> to vector<16xf32>
          %swap3A_175 = vector.shape_cast %mul3A_172 : vector<16xf32> to vector<16xf32>
          tpu.vector_store %arg19[%swap3A], %swap3A_175 {strides = array<i32>} : memref<7808xf32, #tpu.memory_space<vmem>>, vector<16xf32>,
          %add3A_176 = arith.constant 16 : i32
          %add3A_177 = arith.addi %multiple_of3A_164, %add3A_176 : i32
          %get3A_178 = arith.index_cast %add3A_177 : i32 to index
          %get3A_179 = tpu.vector_load %arg16[%get3A_178] {strides = array<i32>} : memref<7808xf32, #tpu.memory_space<vmem>>, vector<16xf32>,
          %get3A_180 = vector.shape_cast %get3A_179 : vector<16xf32> to vector<16xf32>
          %get3A_181 = arith.index_cast %add3A_177 : i32 to index
          %get3A_182 = tpu.vector_load %arg17[%get3A_181] {strides = array<i32>} : memref<7808xf32, #tpu.memory_space<vmem>>, vector<16xf32>,
          %get3A_183 = vector.shape_cast %get3A_182 : vector<16xf32> to vector<16xf32>
          %mul3A_184 = arith.mulf %get3A_180, %get3A_183 : vector<16xf32>
          %swap3A_185 = arith.index_cast %add3A_177 : i32 to index
          %swap3A_186 = tpu.vector_load %arg19[%swap3A_185] {strides = array<i32>} : memref<7808xf32, #tpu.memory_space<vmem>>, vector<16xf32>,
          %swap3A_187 = vector.shape_cast %swap3A_186 : vector<16xf32> to vector<16xf32>
          %swap3A_188 = vector.shape_cast %mul3A_184 : vector<16xf32> to vector<16xf32>
          tpu.vector_store %arg19[%swap3A_185], %swap3A_188 {strides = array<i32>} : memref<7808xf32, #tpu.memory_space<vmem>>, vector<16xf32>,
          %add3A_189 = arith.constant 32 : i32
          %add3A_190 = arith.addi %multiple_of3A_164, %add3A_189 : i32
          %get3A_191 = arith.index_cast %add3A_190 : i32 to index
          %get3A_192 = tpu.vector_load %arg16[%get3A_191] {strides = array<i32>} : memref<7808xf32, #tpu.memory_space<vmem>>, vector<16xf32>,
          %get3A_193 = vector.shape_cast %get3A_192 : vector<16xf32> to vector<16xf32>
          %get3A_194 = arith.index_cast %add3A_190 : i32 to index
          %get3A_195 = tpu.vector_load %arg17[%get3A_194] {strides = array<i32>} : memref<7808xf32, #tpu.memory_space<vmem>>, vector<16xf32>,
          %get3A_196 = vector.shape_cast %get3A_195 : vector<16xf32> to vector<16xf32>
          %mul3A_197 = arith.mulf %get3A_193, %get3A_196 : vector<16xf32>
          %swap3A_198 = arith.index_cast %add3A_190 : i32 to index
          %swap3A_199 = tpu.vector_load %arg19[%swap3A_198] {strides = array<i32>} : memref<7808xf32, #tpu.memory_space<vmem>>, vector<16xf32>,
          %swap3A_200 = vector.shape_cast %swap3A_199 : vector<16xf32> to vector<16xf32>
          %swap3A_201 = vector.shape_cast %mul3A_197 : vector<16xf32> to vector<16xf32>
          tpu.vector_store %arg19[%swap3A_198], %swap3A_201 {strides = array<i32>} : memref<7808xf32, #tpu.memory_space<vmem>>, vector<16xf32>,
          %add3A_202 = arith.constant 48 : i32
          %add3A_203 = arith.addi %multiple_of3A_164, %add3A_202 : i32
          %get3A_204 = arith.index_cast %add3A_203 : i32 to index
          %get3A_205 = tpu.vector_load %arg16[%get3A_204] {strides = array<i32>} : memref<7808xf32, #tpu.memory_space<vmem>>, vector<16xf32>,
          %get3A_206 = vector.shape_cast %get3A_205 : vector<16xf32> to vector<16xf32>
          %get3A_207 = arith.index_cast %add3A_203 : i32 to index
          %get3A_208 = tpu.vector_load %arg17[%get3A_207] {strides = array<i32>} : memref<7808xf32, #tpu.memory_space<vmem>>, vector<16xf32>,
          %get3A_209 = vector.shape_cast %get3A_208 : vector<16xf32> to vector<16xf32>
          %mul3A_210 = arith.mulf %get3A_206, %get3A_209 : vector<16xf32>
          %swap3A_211 = arith.index_cast %add3A_203 : i32 to index
          %swap3A_212 = tpu.vector_load %arg19[%swap3A_211] {strides = array<i32>} : memref<7808xf32, #tpu.memory_space<vmem>>, vector<16xf32>,
          %swap3A_213 = vector.shape_cast %swap3A_212 : vector<16xf32> to vector<16xf32>
          %swap3A_214 = vector.shape_cast %mul3A_210 : vector<16xf32> to vector<16xf32>
          tpu.vector_store %arg19[%swap3A_211], %swap3A_214 {strides = array<i32>} : memref<7808xf32, #tpu.memory_space<vmem>>, vector<16xf32>,
        }
        %scan3A_155 = arith.constant 122 : i32
        %dma_start3A_156 = arith.constant 0 : i32
        %dma_start3A_157 = tpu.memref_slice %arg9[%dma_start3A_156] : memref<131072xf32, #tpu.memory_space<vmem_shared>> -> memref<131072xf32, #tpu.memory_space<vmem_shared>>
        tpu.enqueue_indirect_dma source(%arg19 : memref<7808xf32, #tpu.memory_space<vmem>>) target(%dma_start3A_157 : memref<131072xf32, #tpu.memory_space<vmem_shared>>) offsets(%arg12 : memref<7808xi32, #tpu.memory_space<vmem>>) semaphore(%arg30 : memref<!tpu.dma_semaphore, #tpu.memory_space<semaphore_mem>>) {add = true}
        %convert_element_type3A_158 = arith.extui %eq3A_9 : i1 to i32
        %cond3A_159 = arith.constant 0 : i32
        %cond3A_160 = arith.cmpi ne, %convert_element_type3A_158, %cond3A_159 : i32
        scf.if %cond3A_160 {
          %dma_start3A_161 = arith.constant 0 : i32
          %dma_start3A_162 = tpu.memref_slice %arg10[%dma_start3A_161] : memref<131072xf32, #tpu.memory_space<vmem_shared>> -> memref<131072xf32, #tpu.memory_space<vmem_shared>>
          tpu.enqueue_indirect_dma source(%arg16 : memref<7808xf32, #tpu.memory_space<vmem>>) target(%dma_start3A_162 : memref<131072xf32, #tpu.memory_space<vmem_shared>>) offsets(%arg12 : memref<7808xi32, #tpu.memory_space<vmem>>) semaphore(%arg32 : memref<!tpu.dma_semaphore, #tpu.memory_space<semaphore_mem>>) {add = true}
        } else {
        }
      }
      %scan3A_48 = arith.constant 8 : i32
      %dma_wait3A = arith.constant 0 : i32
      %dma_wait3A_49 = tpu.memref_slice %arg9[%dma_wait3A] : memref<131072xf32, #tpu.memory_space<vmem_shared>> -> memref<131072xf32, #tpu.memory_space<vmem_shared>>
      tpu.wait_indirect_dma semaphore(%arg30 : memref<!tpu.dma_semaphore, #tpu.memory_space<semaphore_mem>>) src(%arg19 : memref<7808xf32, #tpu.memory_space<vmem>>) dst(%dma_wait3A_49 : memref<131072xf32, #tpu.memory_space<vmem_shared>>)
      %convert_element_type3A_50 = arith.extui %eq3A_9 : i1 to i32
      %cond3A_51 = arith.constant 0 : i32
      %cond3A_52 = arith.cmpi ne, %convert_element_type3A_50, %cond3A_51 : i32
      scf.if %cond3A_52 {
        %dma_wait3A_85 = arith.constant 0 : i32
        %dma_wait3A_86 = tpu.memref_slice %arg10[%dma_wait3A_85] : memref<131072xf32, #tpu.memory_space<vmem_shared>> -> memref<131072xf32, #tpu.memory_space<vmem_shared>>
        tpu.wait_indirect_dma semaphore(%arg32 : memref<!tpu.dma_semaphore, #tpu.memory_space<semaphore_mem>>) src(%arg16 : memref<7808xf32, #tpu.memory_space<vmem>>) dst(%dma_wait3A_86 : memref<131072xf32, #tpu.memory_space<vmem_shared>>)
      } else {
      }
      %eq3A_53 = arith.constant 15 : i32
      %eq3A_54 = arith.cmpi eq, %arg1, %eq3A_53 : i32
      %convert_element_type3A_55 = arith.extui %eq3A_54 : i1 to i32
      %cond3A_56 = arith.constant 0 : i32
      %cond3A_57 = arith.cmpi ne, %convert_element_type3A_55, %cond3A_56 : i32
      scf.if %cond3A_57 {
        %mul3A_85 = arith.constant 9 : i32
        %mul3A_86 = arith.muli %mul3A_85, %arg0 : i32
        %add3A_87 = arith.constant 31232 : i32
        %add3A_88 = arith.addi %add3A_87, %mul3A_86 : i32
        %scan3A_89 = arith.constant 0 : i32
        %scan3A_90 = arith.constant 0 : i32
        %scan3A_91 = arith.constant 9 : i32
        %scan3A_92 = arith.addi %scan3A_90, %scan3A_91 : i32
        %scan3A_93 = arith.constant 1 : i32
        scf.for %scan3A_95 = %scan3A_90 to %scan3A_92 step %scan3A_93  : i32 {
          %add3A_96 = arith.addi %add3A_88, %scan3A_95 : i32
          %mul3A_97 = arith.constant 128 : i32
          %mul3A_98 = arith.muli %add3A_96, %mul3A_97 : i32
          %multiple_of3A_99 = tpu.assume_multiple %mul3A_98, 8 : i32
          "tpu.region"() ({
            %run_scoped3A = tpu.sem_alloc : memref<!tpu.dma_semaphore, #tpu.memory_space<semaphore_mem>>
            %dma_start3A_197 = tpu.memref_slice %arg3[%multiple_of3A_99] : memref<4000000xi32, #tpu.memory_space<hbm>> -> memref<128xi32, #tpu.memory_space<hbm>>
            %dma_start3A_198 = tpu.memref_slice %arg3[%multiple_of3A_99] : memref<4000000xi32, #tpu.memory_space<hbm>> -> memref<128xi32, #tpu.memory_space<hbm>>
            tpu.enqueue_dma source(%dma_start3A_198 : memref<128xi32, #tpu.memory_space<hbm>>) target(%arg21 : memref<128xi32, #tpu.memory_space<vmem>>) target_semaphore(%run_scoped3A : memref<!tpu.dma_semaphore, #tpu.memory_space<semaphore_mem>>)
            %dma_wait3A_199 = tpu.memref_slice %arg3[%multiple_of3A_99] : memref<4000000xi32, #tpu.memory_space<hbm>> -> memref<128xi32, #tpu.memory_space<hbm>>
            %dma_wait3A_200 = tpu.memref_slice %arg3[%multiple_of3A_99] : memref<4000000xi32, #tpu.memory_space<hbm>> -> memref<128xi32, #tpu.memory_space<hbm>>
            tpu.wait_dma2 semaphore(%run_scoped3A : memref<!tpu.dma_semaphore, #tpu.memory_space<semaphore_mem>>) src(%dma_wait3A_200 : memref<128xi32, #tpu.memory_space<hbm>>) dst(%arg21 : memref<128xi32, #tpu.memory_space<vmem>>)
            tpu.yield
          }) : () -> ()
          "tpu.region"() ({
            %run_scoped3A = tpu.sem_alloc : memref<!tpu.dma_semaphore, #tpu.memory_space<semaphore_mem>>
            %dma_start3A_197 = tpu.memref_slice %arg4[%multiple_of3A_99] : memref<4000000xi32, #tpu.memory_space<hbm>> -> memref<128xi32, #tpu.memory_space<hbm>>
            %dma_start3A_198 = tpu.memref_slice %arg4[%multiple_of3A_99] : memref<4000000xi32, #tpu.memory_space<hbm>> -> memref<128xi32, #tpu.memory_space<hbm>>
            tpu.enqueue_dma source(%dma_start3A_198 : memref<128xi32, #tpu.memory_space<hbm>>) target(%arg22 : memref<128xi32, #tpu.memory_space<vmem>>) target_semaphore(%run_scoped3A : memref<!tpu.dma_semaphore, #tpu.memory_space<semaphore_mem>>)
            %dma_wait3A_199 = tpu.memref_slice %arg4[%multiple_of3A_99] : memref<4000000xi32, #tpu.memory_space<hbm>> -> memref<128xi32, #tpu.memory_space<hbm>>
            %dma_wait3A_200 = tpu.memref_slice %arg4[%multiple_of3A_99] : memref<4000000xi32, #tpu.memory_space<hbm>> -> memref<128xi32, #tpu.memory_space<hbm>>
            tpu.wait_dma2 semaphore(%run_scoped3A : memref<!tpu.dma_semaphore, #tpu.memory_space<semaphore_mem>>) src(%dma_wait3A_200 : memref<128xi32, #tpu.memory_space<hbm>>) dst(%arg22 : memref<128xi32, #tpu.memory_space<vmem>>)
            tpu.yield
          }) : () -> ()
          "tpu.region"() ({
            %run_scoped3A = tpu.sem_alloc : memref<!tpu.dma_semaphore, #tpu.memory_space<semaphore_mem>>
            %dma_start3A_197 = tpu.memref_slice %arg5[%multiple_of3A_99] : memref<4000000xf32, #tpu.memory_space<hbm>> -> memref<128xf32, #tpu.memory_space<hbm>>
            %dma_start3A_198 = tpu.memref_slice %arg5[%multiple_of3A_99] : memref<4000000xf32, #tpu.memory_space<hbm>> -> memref<128xf32, #tpu.memory_space<hbm>>
            tpu.enqueue_dma source(%dma_start3A_198 : memref<128xf32, #tpu.memory_space<hbm>>) target(%arg23 : memref<128xf32, #tpu.memory_space<vmem>>) target_semaphore(%run_scoped3A : memref<!tpu.dma_semaphore, #tpu.memory_space<semaphore_mem>>)
            %dma_wait3A_199 = tpu.memref_slice %arg5[%multiple_of3A_99] : memref<4000000xf32, #tpu.memory_space<hbm>> -> memref<128xf32, #tpu.memory_space<hbm>>
            %dma_wait3A_200 = tpu.memref_slice %arg5[%multiple_of3A_99] : memref<4000000xf32, #tpu.memory_space<hbm>> -> memref<128xf32, #tpu.memory_space<hbm>>
            tpu.wait_dma2 semaphore(%run_scoped3A : memref<!tpu.dma_semaphore, #tpu.memory_space<semaphore_mem>>) src(%dma_wait3A_200 : memref<128xf32, #tpu.memory_space<hbm>>) dst(%arg23 : memref<128xf32, #tpu.memory_space<vmem>>)
            tpu.yield
          }) : () -> ()
          %dma_start3A_100 = arith.constant 0 : i32
          %dma_start3A_101 = tpu.memref_slice %arg8[%dma_start3A_100] : memref<513024xf32, #tpu.memory_space<vmem_shared>> -> memref<513024xf32, #tpu.memory_space<vmem_shared>>
          tpu.enqueue_indirect_dma source(%dma_start3A_101 : memref<513024xf32, #tpu.memory_space<vmem_shared>>) target(%arg24 : memref<128xf32, #tpu.memory_space<vmem>>) offsets(%arg22 : memref<128xi32, #tpu.memory_space<vmem>>) semaphore(%arg33 : memref<!tpu.dma_semaphore, #tpu.memory_space<semaphore_mem>>)
          %dma_wait3A_102 = arith.constant 0 : i32
          %dma_wait3A_103 = tpu.memref_slice %arg8[%dma_wait3A_102] : memref<513024xf32, #tpu.memory_space<vmem_shared>> -> memref<513024xf32, #tpu.memory_space<vmem_shared>>
          tpu.wait_indirect_dma semaphore(%arg33 : memref<!tpu.dma_semaphore, #tpu.memory_space<semaphore_mem>>) src(%dma_wait3A_103 : memref<513024xf32, #tpu.memory_space<vmem_shared>>) dst(%arg24 : memref<128xf32, #tpu.memory_space<vmem>>)
          %get3A = arith.constant 0 : index
          %get3A_104 = tpu.vector_load %arg23[%get3A] {strides = array<i32>} : memref<128xf32, #tpu.memory_space<vmem>>, vector<16xf32>,
          %get3A_105 = vector.shape_cast %get3A_104 : vector<16xf32> to vector<16xf32>
          %get3A_106 = arith.constant 0 : index
          %get3A_107 = tpu.vector_load %arg24[%get3A_106] {strides = array<i32>} : memref<128xf32, #tpu.memory_space<vmem>>, vector<16xf32>,
          %get3A_108 = vector.shape_cast %get3A_107 : vector<16xf32> to vector<16xf32>
          %mul3A_109 = arith.mulf %get3A_105, %get3A_108 : vector<16xf32>
          %swap3A = arith.constant 0 : index
          %swap3A_110 = tpu.vector_load %arg25[%swap3A] {strides = array<i32>} : memref<128xf32, #tpu.memory_space<vmem>>, vector<16xf32>,
          %swap3A_111 = vector.shape_cast %swap3A_110 : vector<16xf32> to vector<16xf32>
          %swap3A_112 = vector.shape_cast %mul3A_109 : vector<16xf32> to vector<16xf32>
          tpu.vector_store %arg25[%swap3A], %swap3A_112 {strides = array<i32>} : memref<128xf32, #tpu.memory_space<vmem>>, vector<16xf32>,
          %get3A_113 = arith.constant 16 : index
          %get3A_114 = tpu.vector_load %arg23[%get3A_113] {strides = array<i32>} : memref<128xf32, #tpu.memory_space<vmem>>, vector<16xf32>,
          %get3A_115 = vector.shape_cast %get3A_114 : vector<16xf32> to vector<16xf32>
          %get3A_116 = arith.constant 16 : index
          %get3A_117 = tpu.vector_load %arg24[%get3A_116] {strides = array<i32>} : memref<128xf32, #tpu.memory_space<vmem>>, vector<16xf32>,
          %get3A_118 = vector.shape_cast %get3A_117 : vector<16xf32> to vector<16xf32>
          %mul3A_119 = arith.mulf %get3A_115, %get3A_118 : vector<16xf32>
          %swap3A_120 = arith.constant 16 : index
          %swap3A_121 = tpu.vector_load %arg25[%swap3A_120] {strides = array<i32>} : memref<128xf32, #tpu.memory_space<vmem>>, vector<16xf32>,
          %swap3A_122 = vector.shape_cast %swap3A_121 : vector<16xf32> to vector<16xf32>
          %swap3A_123 = vector.shape_cast %mul3A_119 : vector<16xf32> to vector<16xf32>
          tpu.vector_store %arg25[%swap3A_120], %swap3A_123 {strides = array<i32>} : memref<128xf32, #tpu.memory_space<vmem>>, vector<16xf32>,
          %get3A_124 = arith.constant 32 : index
          %get3A_125 = tpu.vector_load %arg23[%get3A_124] {strides = array<i32>} : memref<128xf32, #tpu.memory_space<vmem>>, vector<16xf32>,
          %get3A_126 = vector.shape_cast %get3A_125 : vector<16xf32> to vector<16xf32>
          %get3A_127 = arith.constant 32 : index
          %get3A_128 = tpu.vector_load %arg24[%get3A_127] {strides = array<i32>} : memref<128xf32, #tpu.memory_space<vmem>>, vector<16xf32>,
          %get3A_129 = vector.shape_cast %get3A_128 : vector<16xf32> to vector<16xf32>
          %mul3A_130 = arith.mulf %get3A_126, %get3A_129 : vector<16xf32>
          %swap3A_131 = arith.constant 32 : index
          %swap3A_132 = tpu.vector_load %arg25[%swap3A_131] {strides = array<i32>} : memref<128xf32, #tpu.memory_space<vmem>>, vector<16xf32>,
          %swap3A_133 = vector.shape_cast %swap3A_132 : vector<16xf32> to vector<16xf32>
          %swap3A_134 = vector.shape_cast %mul3A_130 : vector<16xf32> to vector<16xf32>
          tpu.vector_store %arg25[%swap3A_131], %swap3A_134 {strides = array<i32>} : memref<128xf32, #tpu.memory_space<vmem>>, vector<16xf32>,
          %get3A_135 = arith.constant 48 : index
          %get3A_136 = tpu.vector_load %arg23[%get3A_135] {strides = array<i32>} : memref<128xf32, #tpu.memory_space<vmem>>, vector<16xf32>,
          %get3A_137 = vector.shape_cast %get3A_136 : vector<16xf32> to vector<16xf32>
          %get3A_138 = arith.constant 48 : index
          %get3A_139 = tpu.vector_load %arg24[%get3A_138] {strides = array<i32>} : memref<128xf32, #tpu.memory_space<vmem>>, vector<16xf32>,
          %get3A_140 = vector.shape_cast %get3A_139 : vector<16xf32> to vector<16xf32>
          %mul3A_141 = arith.mulf %get3A_137, %get3A_140 : vector<16xf32>
          %swap3A_142 = arith.constant 48 : index
          %swap3A_143 = tpu.vector_load %arg25[%swap3A_142] {strides = array<i32>} : memref<128xf32, #tpu.memory_space<vmem>>, vector<16xf32>,
          %swap3A_144 = vector.shape_cast %swap3A_143 : vector<16xf32> to vector<16xf32>
          %swap3A_145 = vector.shape_cast %mul3A_141 : vector<16xf32> to vector<16xf32>
          tpu.vector_store %arg25[%swap3A_142], %swap3A_145 {strides = array<i32>} : memref<128xf32, #tpu.memory_space<vmem>>, vector<16xf32>,
          %get3A_146 = arith.constant 64 : index
          %get3A_147 = tpu.vector_load %arg23[%get3A_146] {strides = array<i32>} : memref<128xf32, #tpu.memory_space<vmem>>, vector<16xf32>,
          %get3A_148 = vector.shape_cast %get3A_147 : vector<16xf32> to vector<16xf32>
          %get3A_149 = arith.constant 64 : index
          %get3A_150 = tpu.vector_load %arg24[%get3A_149] {strides = array<i32>} : memref<128xf32, #tpu.memory_space<vmem>>, vector<16xf32>,
          %get3A_151 = vector.shape_cast %get3A_150 : vector<16xf32> to vector<16xf32>
          %mul3A_152 = arith.mulf %get3A_148, %get3A_151 : vector<16xf32>
          %swap3A_153 = arith.constant 64 : index
          %swap3A_154 = tpu.vector_load %arg25[%swap3A_153] {strides = array<i32>} : memref<128xf32, #tpu.memory_space<vmem>>, vector<16xf32>,
          %swap3A_155 = vector.shape_cast %swap3A_154 : vector<16xf32> to vector<16xf32>
          %swap3A_156 = vector.shape_cast %mul3A_152 : vector<16xf32> to vector<16xf32>
          tpu.vector_store %arg25[%swap3A_153], %swap3A_156 {strides = array<i32>} : memref<128xf32, #tpu.memory_space<vmem>>, vector<16xf32>,
          %get3A_157 = arith.constant 80 : index
          %get3A_158 = tpu.vector_load %arg23[%get3A_157] {strides = array<i32>} : memref<128xf32, #tpu.memory_space<vmem>>, vector<16xf32>,
          %get3A_159 = vector.shape_cast %get3A_158 : vector<16xf32> to vector<16xf32>
          %get3A_160 = arith.constant 80 : index
          %get3A_161 = tpu.vector_load %arg24[%get3A_160] {strides = array<i32>} : memref<128xf32, #tpu.memory_space<vmem>>, vector<16xf32>,
          %get3A_162 = vector.shape_cast %get3A_161 : vector<16xf32> to vector<16xf32>
          %mul3A_163 = arith.mulf %get3A_159, %get3A_162 : vector<16xf32>
          %swap3A_164 = arith.constant 80 : index
          %swap3A_165 = tpu.vector_load %arg25[%swap3A_164] {strides = array<i32>} : memref<128xf32, #tpu.memory_space<vmem>>, vector<16xf32>,
          %swap3A_166 = vector.shape_cast %swap3A_165 : vector<16xf32> to vector<16xf32>
          %swap3A_167 = vector.shape_cast %mul3A_163 : vector<16xf32> to vector<16xf32>
          tpu.vector_store %arg25[%swap3A_164], %swap3A_167 {strides = array<i32>} : memref<128xf32, #tpu.memory_space<vmem>>, vector<16xf32>,
          %get3A_168 = arith.constant 96 : index
          %get3A_169 = tpu.vector_load %arg23[%get3A_168] {strides = array<i32>} : memref<128xf32, #tpu.memory_space<vmem>>, vector<16xf32>,
          %get3A_170 = vector.shape_cast %get3A_169 : vector<16xf32> to vector<16xf32>
          %get3A_171 = arith.constant 96 : index
          %get3A_172 = tpu.vector_load %arg24[%get3A_171] {strides = array<i32>} : memref<128xf32, #tpu.memory_space<vmem>>, vector<16xf32>,
          %get3A_173 = vector.shape_cast %get3A_172 : vector<16xf32> to vector<16xf32>
          %mul3A_174 = arith.mulf %get3A_170, %get3A_173 : vector<16xf32>
          %swap3A_175 = arith.constant 96 : index
          %swap3A_176 = tpu.vector_load %arg25[%swap3A_175] {strides = array<i32>} : memref<128xf32, #tpu.memory_space<vmem>>, vector<16xf32>,
          %swap3A_177 = vector.shape_cast %swap3A_176 : vector<16xf32> to vector<16xf32>
          %swap3A_178 = vector.shape_cast %mul3A_174 : vector<16xf32> to vector<16xf32>
          tpu.vector_store %arg25[%swap3A_175], %swap3A_178 {strides = array<i32>} : memref<128xf32, #tpu.memory_space<vmem>>, vector<16xf32>,
          %get3A_179 = arith.constant 112 : index
          %get3A_180 = tpu.vector_load %arg23[%get3A_179] {strides = array<i32>} : memref<128xf32, #tpu.memory_space<vmem>>, vector<16xf32>,
          %get3A_181 = vector.shape_cast %get3A_180 : vector<16xf32> to vector<16xf32>
          %get3A_182 = arith.constant 112 : index
          %get3A_183 = tpu.vector_load %arg24[%get3A_182] {strides = array<i32>} : memref<128xf32, #tpu.memory_space<vmem>>, vector<16xf32>,
          %get3A_184 = vector.shape_cast %get3A_183 : vector<16xf32> to vector<16xf32>
          %mul3A_185 = arith.mulf %get3A_181, %get3A_184 : vector<16xf32>
          %swap3A_186 = arith.constant 112 : index
          %swap3A_187 = tpu.vector_load %arg25[%swap3A_186] {strides = array<i32>} : memref<128xf32, #tpu.memory_space<vmem>>, vector<16xf32>,
          %swap3A_188 = vector.shape_cast %swap3A_187 : vector<16xf32> to vector<16xf32>
          %swap3A_189 = vector.shape_cast %mul3A_185 : vector<16xf32> to vector<16xf32>
          tpu.vector_store %arg25[%swap3A_186], %swap3A_189 {strides = array<i32>} : memref<128xf32, #tpu.memory_space<vmem>>, vector<16xf32>,
          %dma_start3A_190 = arith.constant 0 : i32
          %dma_start3A_191 = tpu.memref_slice %arg9[%dma_start3A_190] : memref<131072xf32, #tpu.memory_space<vmem_shared>> -> memref<131072xf32, #tpu.memory_space<vmem_shared>>
          tpu.enqueue_indirect_dma source(%arg25 : memref<128xf32, #tpu.memory_space<vmem>>) target(%dma_start3A_191 : memref<131072xf32, #tpu.memory_space<vmem_shared>>) offsets(%arg21 : memref<128xi32, #tpu.memory_space<vmem>>) semaphore(%arg33 : memref<!tpu.dma_semaphore, #tpu.memory_space<semaphore_mem>>) {add = true}
          %dma_wait3A_192 = arith.constant 0 : i32
          %dma_wait3A_193 = tpu.memref_slice %arg9[%dma_wait3A_192] : memref<131072xf32, #tpu.memory_space<vmem_shared>> -> memref<131072xf32, #tpu.memory_space<vmem_shared>>
          tpu.wait_indirect_dma semaphore(%arg33 : memref<!tpu.dma_semaphore, #tpu.memory_space<semaphore_mem>>) src(%arg25 : memref<128xf32, #tpu.memory_space<vmem>>) dst(%dma_wait3A_193 : memref<131072xf32, #tpu.memory_space<vmem_shared>>)
          %convert_element_type3A_194 = arith.extui %eq3A_9 : i1 to i32
          %cond3A_195 = arith.constant 0 : i32
          %cond3A_196 = arith.cmpi ne, %convert_element_type3A_194, %cond3A_195 : i32
          scf.if %cond3A_196 {
            %dma_start3A_197 = arith.constant 0 : i32
            %dma_start3A_198 = tpu.memref_slice %arg10[%dma_start3A_197] : memref<131072xf32, #tpu.memory_space<vmem_shared>> -> memref<131072xf32, #tpu.memory_space<vmem_shared>>
            tpu.enqueue_indirect_dma source(%arg23 : memref<128xf32, #tpu.memory_space<vmem>>) target(%dma_start3A_198 : memref<131072xf32, #tpu.memory_space<vmem_shared>>) offsets(%arg21 : memref<128xi32, #tpu.memory_space<vmem>>) semaphore(%arg33 : memref<!tpu.dma_semaphore, #tpu.memory_space<semaphore_mem>>) {add = true}
            %dma_wait3A_199 = arith.constant 0 : i32
            %dma_wait3A_200 = tpu.memref_slice %arg10[%dma_wait3A_199] : memref<131072xf32, #tpu.memory_space<vmem_shared>> -> memref<131072xf32, #tpu.memory_space<vmem_shared>>
            tpu.wait_indirect_dma semaphore(%arg33 : memref<!tpu.dma_semaphore, #tpu.memory_space<semaphore_mem>>) src(%arg23 : memref<128xf32, #tpu.memory_space<vmem>>) dst(%dma_wait3A_200 : memref<131072xf32, #tpu.memory_space<vmem_shared>>)
          } else {
          }
        }
        %scan3A_94 = arith.constant 9 : i32
      } else {
      }
      %barrier3A_58 = arith.constant 0 : index
      tpu.barrier barrier_id(%barrier3A_58)
      %mul3A_59 = arith.constant 6 : i32
      %mul3A_60 = arith.muli %arg0, %mul3A_59 : i32
      %add3A_61 = arith.addi %mul3A_60, %scan3A_8 : i32
      %mul3A_62 = arith.constant 131072 : i32
      %mul3A_63 = arith.muli %add3A_61, %mul3A_62 : i32
      %mul3A_64 = arith.constant 8192 : i32
      %mul3A_65 = arith.muli %arg1, %mul3A_64 : i32
      %add3A_66 = arith.addi %mul3A_63, %mul3A_65 : i32
      %multiple_of3A_67 = tpu.assume_multiple %add3A_66, 8 : i32
      %mul3A_68 = arith.constant 8192 : i32
      %mul3A_69 = arith.muli %arg1, %mul3A_68 : i32
      %add3A_70 = arith.constant 0 : i32
      %add3A_71 = arith.addi %mul3A_69, %add3A_70 : i32
      "tpu.region"() ({
        %run_scoped3A = tpu.sem_alloc : memref<!tpu.dma_semaphore, #tpu.memory_space<semaphore_mem>>
        %dma_start3A_85 = tpu.memref_slice %arg9[%add3A_71] : memref<131072xf32, #tpu.memory_space<vmem_shared>> -> memref<4096xf32, #tpu.memory_space<vmem_shared>>
        %dma_start3A_86 = tpu.memref_slice %arg9[%add3A_71] : memref<131072xf32, #tpu.memory_space<vmem_shared>> -> memref<4096xf32, #tpu.memory_space<vmem_shared>>
        tpu.enqueue_dma source(%dma_start3A_86 : memref<4096xf32, #tpu.memory_space<vmem_shared>>) target(%arg20 : memref<4096xf32, #tpu.memory_space<vmem>>) target_semaphore(%run_scoped3A : memref<!tpu.dma_semaphore, #tpu.memory_space<semaphore_mem>>)
        %dma_wait3A_87 = tpu.memref_slice %arg9[%add3A_71] : memref<131072xf32, #tpu.memory_space<vmem_shared>> -> memref<4096xf32, #tpu.memory_space<vmem_shared>>
        %dma_wait3A_88 = tpu.memref_slice %arg9[%add3A_71] : memref<131072xf32, #tpu.memory_space<vmem_shared>> -> memref<4096xf32, #tpu.memory_space<vmem_shared>>
        tpu.wait_dma2 semaphore(%run_scoped3A : memref<!tpu.dma_semaphore, #tpu.memory_space<semaphore_mem>>) src(%dma_wait3A_88 : memref<4096xf32, #tpu.memory_space<vmem_shared>>) dst(%arg20 : memref<4096xf32, #tpu.memory_space<vmem>>)
        tpu.yield
      }) : () -> ()
      %add3A_72 = arith.constant 0 : i32
      %add3A_73 = arith.addi %multiple_of3A_67, %add3A_72 : i32
      %multiple_of3A_74 = tpu.assume_multiple %add3A_73, 8 : i32
      "tpu.region"() ({
        %run_scoped3A = tpu.sem_alloc : memref<!tpu.dma_semaphore, #tpu.memory_space<semaphore_mem>>
        %dma_start3A_85 = tpu.memref_slice %arg7[%multiple_of3A_74] : memref<1572864xf32, #tpu.memory_space<hbm>> -> memref<4096xf32, #tpu.memory_space<hbm>>
        %dma_start3A_86 = tpu.memref_slice %arg7[%multiple_of3A_74] : memref<1572864xf32, #tpu.memory_space<hbm>> -> memref<4096xf32, #tpu.memory_space<hbm>>
        tpu.enqueue_dma source(%arg20 : memref<4096xf32, #tpu.memory_space<vmem>>) target(%dma_start3A_86 : memref<4096xf32, #tpu.memory_space<hbm>>) target_semaphore(%run_scoped3A : memref<!tpu.dma_semaphore, #tpu.memory_space<semaphore_mem>>)
        %dma_wait3A_87 = tpu.memref_slice %arg7[%multiple_of3A_74] : memref<1572864xf32, #tpu.memory_space<hbm>> -> memref<4096xf32, #tpu.memory_space<hbm>>
        %dma_wait3A_88 = tpu.memref_slice %arg7[%multiple_of3A_74] : memref<1572864xf32, #tpu.memory_space<hbm>> -> memref<4096xf32, #tpu.memory_space<hbm>>
        tpu.wait_dma2 semaphore(%run_scoped3A : memref<!tpu.dma_semaphore, #tpu.memory_space<semaphore_mem>>) src(%arg20 : memref<4096xf32, #tpu.memory_space<vmem>>) dst(%dma_wait3A_88 : memref<4096xf32, #tpu.memory_space<hbm>>)
        tpu.yield
      }) : () -> ()
      %mul3A_75 = arith.constant 8192 : i32
      %mul3A_76 = arith.muli %arg1, %mul3A_75 : i32
      %add3A_77 = arith.constant 4096 : i32
      %add3A_78 = arith.addi %mul3A_76, %add3A_77 : i32
      "tpu.region"() ({
        %run_scoped3A = tpu.sem_alloc : memref<!tpu.dma_semaphore, #tpu.memory_space<semaphore_mem>>
        %dma_start3A_85 = tpu.memref_slice %arg9[%add3A_78] : memref<131072xf32, #tpu.memory_space<vmem_shared>> -> memref<4096xf32, #tpu.memory_space<vmem_shared>>
        %dma_start3A_86 = tpu.memref_slice %arg9[%add3A_78] : memref<131072xf32, #tpu.memory_space<vmem_shared>> -> memref<4096xf32, #tpu.memory_space<vmem_shared>>
        tpu.enqueue_dma source(%dma_start3A_86 : memref<4096xf32, #tpu.memory_space<vmem_shared>>) target(%arg20 : memref<4096xf32, #tpu.memory_space<vmem>>) target_semaphore(%run_scoped3A : memref<!tpu.dma_semaphore, #tpu.memory_space<semaphore_mem>>)
        %dma_wait3A_87 = tpu.memref_slice %arg9[%add3A_78] : memref<131072xf32, #tpu.memory_space<vmem_shared>> -> memref<4096xf32, #tpu.memory_space<vmem_shared>>
        %dma_wait3A_88 = tpu.memref_slice %arg9[%add3A_78] : memref<131072xf32, #tpu.memory_space<vmem_shared>> -> memref<4096xf32, #tpu.memory_space<vmem_shared>>
        tpu.wait_dma2 semaphore(%run_scoped3A : memref<!tpu.dma_semaphore, #tpu.memory_space<semaphore_mem>>) src(%dma_wait3A_88 : memref<4096xf32, #tpu.memory_space<vmem_shared>>) dst(%arg20 : memref<4096xf32, #tpu.memory_space<vmem>>)
        tpu.yield
      }) : () -> ()
      %add3A_79 = arith.constant 4096 : i32
      %add3A_80 = arith.addi %multiple_of3A_67, %add3A_79 : i32
      %multiple_of3A_81 = tpu.assume_multiple %add3A_80, 8 : i32
      "tpu.region"() ({
        %run_scoped3A = tpu.sem_alloc : memref<!tpu.dma_semaphore, #tpu.memory_space<semaphore_mem>>
        %dma_start3A_85 = tpu.memref_slice %arg7[%multiple_of3A_81] : memref<1572864xf32, #tpu.memory_space<hbm>> -> memref<4096xf32, #tpu.memory_space<hbm>>
        %dma_start3A_86 = tpu.memref_slice %arg7[%multiple_of3A_81] : memref<1572864xf32, #tpu.memory_space<hbm>> -> memref<4096xf32, #tpu.memory_space<hbm>>
        tpu.enqueue_dma source(%arg20 : memref<4096xf32, #tpu.memory_space<vmem>>) target(%dma_start3A_86 : memref<4096xf32, #tpu.memory_space<hbm>>) target_semaphore(%run_scoped3A : memref<!tpu.dma_semaphore, #tpu.memory_space<semaphore_mem>>)
        %dma_wait3A_87 = tpu.memref_slice %arg7[%multiple_of3A_81] : memref<1572864xf32, #tpu.memory_space<hbm>> -> memref<4096xf32, #tpu.memory_space<hbm>>
        %dma_wait3A_88 = tpu.memref_slice %arg7[%multiple_of3A_81] : memref<1572864xf32, #tpu.memory_space<hbm>> -> memref<4096xf32, #tpu.memory_space<hbm>>
        tpu.wait_dma2 semaphore(%run_scoped3A : memref<!tpu.dma_semaphore, #tpu.memory_space<semaphore_mem>>) src(%arg20 : memref<4096xf32, #tpu.memory_space<vmem>>) dst(%dma_wait3A_88 : memref<4096xf32, #tpu.memory_space<hbm>>)
        tpu.yield
      }) : () -> ()
      %convert_element_type3A_82 = arith.extui %eq3A_9 : i1 to i32
      %cond3A_83 = arith.constant 0 : i32
      %cond3A_84 = arith.cmpi ne, %convert_element_type3A_82, %cond3A_83 : i32
      scf.if %cond3A_84 {
        %mul3A_85 = arith.constant 6 : i32
        %mul3A_86 = arith.muli %arg0, %mul3A_85 : i32
        %add3A_87 = arith.constant 5 : i32
        %add3A_88 = arith.addi %mul3A_86, %add3A_87 : i32
        %mul3A_89 = arith.constant 131072 : i32
        %mul3A_90 = arith.muli %add3A_88, %mul3A_89 : i32
        %mul3A_91 = arith.constant 8192 : i32
        %mul3A_92 = arith.muli %arg1, %mul3A_91 : i32
        %add3A_93 = arith.addi %mul3A_90, %mul3A_92 : i32
        %multiple_of3A_94 = tpu.assume_multiple %add3A_93, 8 : i32
        %mul3A_95 = arith.constant 8192 : i32
        %mul3A_96 = arith.muli %arg1, %mul3A_95 : i32
        %add3A_97 = arith.constant 0 : i32
        %add3A_98 = arith.addi %mul3A_96, %add3A_97 : i32
        "tpu.region"() ({
          %run_scoped3A = tpu.sem_alloc : memref<!tpu.dma_semaphore, #tpu.memory_space<semaphore_mem>>
          %dma_start3A_109 = tpu.memref_slice %arg10[%add3A_98] : memref<131072xf32, #tpu.memory_space<vmem_shared>> -> memref<4096xf32, #tpu.memory_space<vmem_shared>>
          %dma_start3A_110 = tpu.memref_slice %arg10[%add3A_98] : memref<131072xf32, #tpu.memory_space<vmem_shared>> -> memref<4096xf32, #tpu.memory_space<vmem_shared>>
          tpu.enqueue_dma source(%dma_start3A_110 : memref<4096xf32, #tpu.memory_space<vmem_shared>>) target(%arg20 : memref<4096xf32, #tpu.memory_space<vmem>>) target_semaphore(%run_scoped3A : memref<!tpu.dma_semaphore, #tpu.memory_space<semaphore_mem>>)
          %dma_wait3A_111 = tpu.memref_slice %arg10[%add3A_98] : memref<131072xf32, #tpu.memory_space<vmem_shared>> -> memref<4096xf32, #tpu.memory_space<vmem_shared>>
          %dma_wait3A_112 = tpu.memref_slice %arg10[%add3A_98] : memref<131072xf32, #tpu.memory_space<vmem_shared>> -> memref<4096xf32, #tpu.memory_space<vmem_shared>>
          tpu.wait_dma2 semaphore(%run_scoped3A : memref<!tpu.dma_semaphore, #tpu.memory_space<semaphore_mem>>) src(%dma_wait3A_112 : memref<4096xf32, #tpu.memory_space<vmem_shared>>) dst(%arg20 : memref<4096xf32, #tpu.memory_space<vmem>>)
          tpu.yield
        }) : () -> ()
        %add3A_99 = arith.constant 0 : i32
        %add3A_100 = arith.addi %multiple_of3A_94, %add3A_99 : i32
        %multiple_of3A_101 = tpu.assume_multiple %add3A_100, 8 : i32
        "tpu.region"() ({
          %run_scoped3A = tpu.sem_alloc : memref<!tpu.dma_semaphore, #tpu.memory_space<semaphore_mem>>
          %dma_start3A_109 = tpu.memref_slice %arg7[%multiple_of3A_101] : memref<1572864xf32, #tpu.memory_space<hbm>> -> memref<4096xf32, #tpu.memory_space<hbm>>
          %dma_start3A_110 = tpu.memref_slice %arg7[%multiple_of3A_101] : memref<1572864xf32, #tpu.memory_space<hbm>> -> memref<4096xf32, #tpu.memory_space<hbm>>
          tpu.enqueue_dma source(%arg20 : memref<4096xf32, #tpu.memory_space<vmem>>) target(%dma_start3A_110 : memref<4096xf32, #tpu.memory_space<hbm>>) target_semaphore(%run_scoped3A : memref<!tpu.dma_semaphore, #tpu.memory_space<semaphore_mem>>)
          %dma_wait3A_111 = tpu.memref_slice %arg7[%multiple_of3A_101] : memref<1572864xf32, #tpu.memory_space<hbm>> -> memref<4096xf32, #tpu.memory_space<hbm>>
          %dma_wait3A_112 = tpu.memref_slice %arg7[%multiple_of3A_101] : memref<1572864xf32, #tpu.memory_space<hbm>> -> memref<4096xf32, #tpu.memory_space<hbm>>
          tpu.wait_dma2 semaphore(%run_scoped3A : memref<!tpu.dma_semaphore, #tpu.memory_space<semaphore_mem>>) src(%arg20 : memref<4096xf32, #tpu.memory_space<vmem>>) dst(%dma_wait3A_112 : memref<4096xf32, #tpu.memory_space<hbm>>)
          tpu.yield
        }) : () -> ()
        %mul3A_102 = arith.constant 8192 : i32
        %mul3A_103 = arith.muli %arg1, %mul3A_102 : i32
        %add3A_104 = arith.constant 4096 : i32
        %add3A_105 = arith.addi %mul3A_103, %add3A_104 : i32
        "tpu.region"() ({
          %run_scoped3A = tpu.sem_alloc : memref<!tpu.dma_semaphore, #tpu.memory_space<semaphore_mem>>
          %dma_start3A_109 = tpu.memref_slice %arg10[%add3A_105] : memref<131072xf32, #tpu.memory_space<vmem_shared>> -> memref<4096xf32, #tpu.memory_space<vmem_shared>>
          %dma_start3A_110 = tpu.memref_slice %arg10[%add3A_105] : memref<131072xf32, #tpu.memory_space<vmem_shared>> -> memref<4096xf32, #tpu.memory_space<vmem_shared>>
          tpu.enqueue_dma source(%dma_start3A_110 : memref<4096xf32, #tpu.memory_space<vmem_shared>>) target(%arg20 : memref<4096xf32, #tpu.memory_space<vmem>>) target_semaphore(%run_scoped3A : memref<!tpu.dma_semaphore, #tpu.memory_space<semaphore_mem>>)
          %dma_wait3A_111 = tpu.memref_slice %arg10[%add3A_105] : memref<131072xf32, #tpu.memory_space<vmem_shared>> -> memref<4096xf32, #tpu.memory_space<vmem_shared>>
          %dma_wait3A_112 = tpu.memref_slice %arg10[%add3A_105] : memref<131072xf32, #tpu.memory_space<vmem_shared>> -> memref<4096xf32, #tpu.memory_space<vmem_shared>>
          tpu.wait_dma2 semaphore(%run_scoped3A : memref<!tpu.dma_semaphore, #tpu.memory_space<semaphore_mem>>) src(%dma_wait3A_112 : memref<4096xf32, #tpu.memory_space<vmem_shared>>) dst(%arg20 : memref<4096xf32, #tpu.memory_space<vmem>>)
          tpu.yield
        }) : () -> ()
        %add3A_106 = arith.constant 4096 : i32
        %add3A_107 = arith.addi %multiple_of3A_94, %add3A_106 : i32
        %multiple_of3A_108 = tpu.assume_multiple %add3A_107, 8 : i32
        "tpu.region"() ({
          %run_scoped3A = tpu.sem_alloc : memref<!tpu.dma_semaphore, #tpu.memory_space<semaphore_mem>>
          %dma_start3A_109 = tpu.memref_slice %arg7[%multiple_of3A_108] : memref<1572864xf32, #tpu.memory_space<hbm>> -> memref<4096xf32, #tpu.memory_space<hbm>>
          %dma_start3A_110 = tpu.memref_slice %arg7[%multiple_of3A_108] : memref<1572864xf32, #tpu.memory_space<hbm>> -> memref<4096xf32, #tpu.memory_space<hbm>>
          tpu.enqueue_dma source(%arg20 : memref<4096xf32, #tpu.memory_space<vmem>>) target(%dma_start3A_110 : memref<4096xf32, #tpu.memory_space<hbm>>) target_semaphore(%run_scoped3A : memref<!tpu.dma_semaphore, #tpu.memory_space<semaphore_mem>>)
          %dma_wait3A_111 = tpu.memref_slice %arg7[%multiple_of3A_108] : memref<1572864xf32, #tpu.memory_space<hbm>> -> memref<4096xf32, #tpu.memory_space<hbm>>
          %dma_wait3A_112 = tpu.memref_slice %arg7[%multiple_of3A_108] : memref<1572864xf32, #tpu.memory_space<hbm>> -> memref<4096xf32, #tpu.memory_space<hbm>>
          tpu.wait_dma2 semaphore(%run_scoped3A : memref<!tpu.dma_semaphore, #tpu.memory_space<semaphore_mem>>) src(%arg20 : memref<4096xf32, #tpu.memory_space<vmem>>) dst(%dma_wait3A_112 : memref<4096xf32, #tpu.memory_space<hbm>>)
          tpu.yield
        }) : () -> ()
      } else {
      }
      "tpu.region"() ({
        %run_scoped3A = tpu.sem_alloc : memref<!tpu.dma_semaphore, #tpu.memory_space<semaphore_mem>>
        tpu.enqueue_dma source(%arg6 : memref<4096xf32, #tpu.memory_space<hbm>>) target(%arg20 : memref<4096xf32, #tpu.memory_space<vmem>>) target_semaphore(%run_scoped3A : memref<!tpu.dma_semaphore, #tpu.memory_space<semaphore_mem>>)
        tpu.wait_dma2 semaphore(%run_scoped3A : memref<!tpu.dma_semaphore, #tpu.memory_space<semaphore_mem>>) src(%arg6 : memref<4096xf32, #tpu.memory_space<hbm>>) dst(%arg20 : memref<4096xf32, #tpu.memory_space<vmem>>)
        tpu.yield
      }) : () -> ()
    }
    %scan3A_7 = arith.constant 5 : i32
    return
  }
}

</mosaic_0001>

<sc_bundles>
// kernel: kernel.3.cloned.1.call-start
scs
__scs_entry_jumppad:
0x0: {  	(pc) =	sbr.rel $0x88, $3  }
0x1: {  	(tag) =	ssettag $0x0;
	lr =	simm.s32 $0x1  }
0x2: {  	[smem:$0x3F9D] =	sst lr;
	_ =	strace $0xD0000000  }
0x3: {  	_ = 	snop  }
0x4: {  	_ = 	snop  }
0x5: {  	_ = 	snop  }
0x6: {  	_ = 	snop  }
0x7: {  	_ = 	snop  }
__scs_overlays_trampoline_lowered:
0x8: {  	[smem:$0x3FAC] =	sst s0  }
0x9: {  	[smem:$0x3FAD] =	sst s1  }
0xa: {  	[smem:$0x3FAE] =	sst s2  }
0xb: {  	[smem:$0x3FAF] =	sst s3  }
0xc: {  	[smem:$0x3FB0] =	sst s4  }
0xd: {  	[smem:$0x3FB1] =	sst s5  }
0xe: {  	[smem:$0x3FB2] =	sst s6  }
0xf: {  	[smem:$0x3FB3] =	sst s7  }
0x10: {  	[smem:$0x3FB4] =	sst s8  }
0x11: {  	[smem:$0x3FB5] =	sst s9;
	s0 =	simm.s32 @!p0 $0x0  }
0x12: {  	s1 =	sld [smem:$0x3F9B];
	s0 =	simm.s32 @p0 $0x1  }
0x13: {  	[smem:$0x3FB6] =	sst s0;
	s0 =	simm.s32 @!p1 $0x0  }
0x14: {  	s2 =	sld [smem:$0x3F9A];
	s0 =	simm.s32 @p1 $0x1  }
0x15: {  	[smem:$0x3FB7] =	sst s0;
	s0 =	simm.s32 @!p2 $0x0  }
0x16: {  	s3 =	sld [smem:$0x3FDB];
	s0 =	simm.s32 @p2 $0x1  }
0x17: {  	s4 =	simm.s32 $0x1BF5;
	[smem:$0x3FB9] =	sst s0  }
0x18: {  	s0 =	sld [smem:$0x3F9C];
	_ =	swait.ge [sflag:s4], $0x0  }
0x19: {  	s7 =	sld [smem:$0x3F9D]  }
0x1a: {  	s8 =	sadd.s32 $0xFFFFE003, lr  }
0x1b: {  	s9 =	sadd.s32 $0xFFFFFEF7, lr;
	s5 =	simm.s32 $0xFFFFFFFF;
	p2 =	slt.u32 s8, $0xFFFFF086  }
0x1c: {  	p1 =	slt.u32 s9, $0xF7A;
	s5 =	simm.s32 @!p2 $0x0  }
0x1d: {  	s5 =	simm.s32 @p1 $0x1;
	p0 =	seq.s32 s7, s2  }
0x1e: {  	s7 =	smul.u32 @!p0 $0xF7A, s2;
	p2 =	seq.s32 @!p0 s5, $0x0  }
0x1f: {  	s9 =	smul.u32 $0xF7A, s1;
	s8 =	simm.s32 @!p0 $0x1BF5;
	p2 =	por !p2, p0  }
0x20: {  	[sflag:s8] =	ssyncset.s32 @!p0 $0xFFFFF086;
	s6 =	sadd.s32 @!p0 s3, s7;
	s7 =	simm.s32 @!p0 $0x108  }
0x21: {  	s3 =	sadd.s32 s3, s9;
	s6 =	sadd.s32 @!p0 $0x88, s6;
	s7 =	simm.s32 @p2 $0x1082  }
0x22: {  	[simem:s7], [sflag:s8] =	dma.local @!p0 [hbm:s6], $0xF7A  }
0x23: {  	s9 =	sor.u32 $0xD0000000, s2;
	s6 =	simm.s32 $0x108;
	_ =	swait.ge @!p0 [sflag:s8], $0x0  }
0x24: {  	s3 =	sadd.s32 $0x88, s3;
	s6 =	simm.s32 @!p1 $0x1082;
	[sflag:s4] =	ssyncset.s32 $0xFFFFF086  }
0x25: {  	[simem:s6], [sflag:s4] =	dma.local [hbm:s3], $0xF7A  }
0x26: {  	[smem:$0x3F9D] =	sst s1;
	(tag) =	ssettag s2;
	_ =	strace s9  }
0x27: {  	s1 =	sld [smem:$0x3FAD]  }
0x28: {  	s2 =	sld [smem:$0x3FAE]  }
0x29: {  	s4 =	sld [smem:$0x3FB0]  }
0x2a: {  	p0 =	seq.s32 s5, $0x0;
	s5 =	sld [smem:$0x3FB1]  }
0x2b: {  	s6 =	sld [smem:$0x3FB2]  }
0x2c: {  	s7 =	sld [smem:$0x3FB3]  }
0x2d: {  	s3 =	simm.s32 $0x108;
	s8 =	sld [smem:$0x3FB4]  }
0x2e: {  	s3 =	simm.s32 @!p0 $0x1082;
	s9 =	sld [smem:$0x3FB5]  }
0x2f: {  	lr =	sadd.s32 s0, s3;
	s0 =	sld [smem:$0x3FAC]  }
0x30: {  	s3 =	sld [smem:$0x3FAF]  }
0x31: {  	[smem:$0x3FB8] =	sst s10  }
0x32: {  	s10 =	sld [smem:$0x3FB6];
	_ =	sdelay $0x3  }
0x33: {  	p0 =	seq.s32 s10, $0x1;
	s10 =	sld [smem:$0x3FB8];
	_ =	sdelay $0x3  }
0x34: {  	[smem:$0x3FB8] =	sst s10  }
0x35: {  	s10 =	sld [smem:$0x3FB7];
	_ =	sdelay $0x3  }
0x36: {  	p1 =	seq.s32 s10, $0x1;
	s10 =	sld [smem:$0x3FB8];
	_ =	sdelay $0x3  }
0x37: {  	[smem:$0x3FB8] =	sst s10  }
0x38: {  	s10 =	sld [smem:$0x3FB9]  }
0x39: {  	_ = 	snop;
	(pc) =	sbr.ind lr, $3  }
0x3a: {  	_ = 	snop  }
0x3b: {  	_ = 	snop  }
0x3c: {  	p2 =	seq.s32 s10, $0x1;
	s10 =	sld [smem:$0x3FB8]  }
0x3d: {  	_ =	shalt  }
0x3e: {  	_ =	shalt  }
0x3f: {  	_ =	shalt  }
0x40: {  	_ =	shalt  }
0x41: {  	_ =	shalt  }
0x42: {  	_ =	shalt  }
0x43: {  	_ =	shalt  }
0x44: {  	_ =	shalt  }
0x45: {  	_ =	shalt  }
0x46: {  	_ =	shalt  }
0x47: {  	_ =	shalt  }
0x48: {  	_ =	shalt  }
0x49: {  	_ =	shalt  }
0x4a: {  	_ =	shalt  }
0x4b: {  	_ =	shalt  }
0x4c: {  	_ =	shalt  }
0x4d: {  	_ =	shalt  }
0x4e: {  	_ =	shalt  }
0x4f: {  	_ =	shalt  }
0x50: {  	_ =	shalt  }
0x51: {  	_ =	shalt  }
0x52: {  	_ =	shalt  }
0x53: {  	_ =	shalt  }
0x54: {  	_ =	shalt  }
0x55: {  	_ =	shalt  }
0x56: {  	_ =	shalt  }
0x57: {  	_ =	shalt  }
0x58: {  	_ =	shalt  }
0x59: {  	_ =	shalt  }
0x5a: {  	_ =	shalt  }
0x5b: {  	_ =	shalt  }
0x5c: {  	_ =	shalt  }
0x5d: {  	_ =	shalt  }
0x5e: {  	_ =	shalt  }
0x5f: {  	_ =	shalt  }
0x60: {  	_ =	shalt  }
0x61: {  	_ =	shalt  }
0x62: {  	_ =	shalt  }
0x63: {  	_ =	shalt  }
0x64: {  	_ =	shalt  }
0x65: {  	_ =	shalt  }
0x66: {  	_ =	shalt  }
0x67: {  	_ =	shalt  }
0x68: {  	_ =	shalt  }
0x69: {  	_ =	shalt  }
0x6a: {  	_ =	shalt  }
0x6b: {  	_ =	shalt  }
0x6c: {  	_ =	shalt  }
0x6d: {  	_ =	shalt  }
0x6e: {  	_ =	shalt  }
0x6f: {  	_ =	shalt  }
0x70: {  	_ =	shalt  }
0x71: {  	_ =	shalt  }
0x72: {  	_ =	shalt  }
0x73: {  	_ =	shalt  }
0x74: {  	_ =	shalt  }
0x75: {  	_ =	shalt  }
0x76: {  	_ =	shalt  }
0x77: {  	_ =	shalt  }
0x78: {  	_ =	shalt  }
0x79: {  	_ =	shalt  }
0x7a: {  	_ =	shalt  }
0x7b: {  	_ =	shalt  }
0x7c: {  	_ =	shalt  }
0x7d: {  	_ =	shalt  }
0x7e: {  	_ =	shalt  }
0x7f: {  	_ =	shalt  }
0x80: {  	_ =	shalt  }
0x81: {  	_ =	shalt  }
0x82: {  	_ =	shalt  }
0x83: {  	_ =	shalt  }
0x84: {  	_ =	shalt  }
0x85: {  	_ =	shalt  }
0x86: {  	_ =	shalt  }
0x87: {  	_ =	shalt  }
.Lfunc_end0:
.L_simem_size_0:
called_computation_lowered:
.L_overlay_start_0:
0x88: {  	s2 =	sld [smem:$0x3FD9]  }
0x89: {  	s3 =	sld [smem:$0x3FFE];
	_ =	sdelay $0x1  }
0x8a: {  	s1 =	srdreg.scid  }
0x8b: {  	s0 =	sand.u32 $0x1, s1  }
0x8c: {  	s17 =	sshll.u32 s0, $0xA;
	s2 =	sadd.s32 s3, s2  }
0x8d: {  	s2 =	sadd.s32 s2, s17  }
0x8e: {  	[smem:$0x3FC4] =	sst s2  }
0x8f: {  	_ = 	snop  }
0x90: {  	s2 =	sld [smem:$0x3FC8]  }
0x91: {  	s18 =	sld [smem:$0x3FC7]  }
0x92: {  	s4 =	sld [smem:$0x3FC6]  }
0x93: {  	s5 =	sld [smem:$0x3FD0];
	(tm) =	ssettm $0x1  }
0x94: {  	s6 =	sld [smem:$0x3FFB];
	_ =	sdelay $0x3  }
0x95: {  	_ =	strace s6  }
0x96: {  	s6 =	sld [smem:$0x3FFC];
	_ =	sdelay $0x3  }
0x97: {  	_ =	strace s6  }
0x98: {  	s6 =	sld [smem:$0x3FFD];
	_ =	sdelay $0x3  }
0x99: {  	_ =	strace s6  }
0x9a: {  	_ =	strace $0x8FFFFFFF  }
0x9b: {  	s19 =	sld [smem:$0x3FDB];
	_ =	sdelay $0x1  }
0x9c: {  	s7 =	simm.s32 $_scs_section_size  }
0x9d: {  	s8 =	simm.s32 $_size__tile_overlayer_lowered;
	s9 =	simm.s32 $_tile_overlayer_lowered  }
0x9e: {  	s22 =	simm.s32 $0x1BFF;
	s21 =	sshll.u32 s9, $0x1;
	s6 =	sadd.s32 s7, s19  }
0x9f: {  	s10 =	simm.s32 $0x0;
	s20 =	sshll.u32 s8, $0x1;
	s8 =	sadd.s32 s21, s6  }
0xa0: {  	[timem:s10], [sflag:s22] =	dma.local [hbm:s8], s20  }
0xa1: {  	_ =	swait.ge [sflag:s22], s20  }
0xa2: {  	s7 =	ssub.s32 $0x0, s20;
	[sflag:s22] =	ssyncset.done $0x0  }
0xa3: {  	[sflag:s22] =	ssyncadd.s32 s7;
	_ =	sdelay $0x1  }
0xa4: {  	s23 =	simm.s32 $0x1B8B  }
0xa5: {  	_ =	swait.ge [sflag:s23], $0x1  }
0xa6: {  	[sflag:s23] =	ssyncset.done $0x0  }
0xa7: {  	s25 =	simm.s32 $0x1B8E;
	s24 =	sld [smem:$0x3FFE];
	[sflag:s23] =	ssyncadd.s32 $0xFFFFFFFF  }
0xa8: {  	s26 =	simm.s32 $execute0_lowered;
	[smem:$0x3FD2] =	sst s25  }
0xa9: {  	s8 =	sshll.u32 s26, $0x1;
	_ =	strace $0x80000046;
	[dreg:$0x1] =	wrdreg $0xFFFFFFFF  }
0xaa: {  	s28 =	simm.s32 $_size_execute0_lowered;
	s6 =	sadd.s32 s6, s8;
	[dreg:$0x0] =	wrdreg $0x0  }
0xab: {  	s8 =	sshll.u32 s28, $0x1;
	[dreg:$0x2] =	wrdreg s6  }
0xac: {  	[dreg:$0x3] =	wrdreg s8  }
0xad: {  	[dreg:$0x4] =	wrdreg $0xC0  }
0xae: {  	_ =	task [dreg:s10], $0x5FFFF  }
0xaf: {  	[dreg:$0x1] =	wrdreg $0xFFFFFFFF  }
0xb0: {  	[dreg:$0x0] =	wrdreg $0x60  }
0xb1: {  	[dreg:$0x2] =	wrdreg s24  }
0xb2: {  	[dreg:$0x3] =	wrdreg s2  }
0xb3: {  	[dreg:$0x4] =	wrdreg s18  }
0xb4: {  	[dreg:$0x5] =	wrdreg s4  }
0xb5: {  	[dreg:$0x6] =	wrdreg s5  }
0xb6: {  	[dreg:$0x7] =	wrdreg $0x7D400  }
0xb7: {  	[dreg:$0x8] =	wrdreg $0x9D400  }
0xb8: {  	[dreg:$0x9] =	wrdreg $0x0  }
0xb9: {  	[dreg:$0xa] =	wrdreg $0x9  }
0xba: {  	_ =	task.clear_ibuf [dreg:s10], $0xBFFFF;
	_ =	strace $0x90000046  }
0xbb: {  	s29 =	simm.s32 $0x9;
	_ =	strace $0x80000048  }
0xbc: {  	_ =	swait.ge [sflag:s29], $0x1  }
0xbd: {  	[sflag:s29] =	ssyncadd.s32 $0xFFFFFFFF  }
0xbe: {  	_ =	strace $0x90000048  }
0xbf: {  	_ =	sfence  }
0xc0: {  	s30 =	sld [smem:$0x0];
	_ =	sdelay $0x2  }
0xc1: {  	s31 =	sshll.u32 s1, $0xD;
	s1 =	sshrl.u32 s1, $0x2  }
0xc2: {  	s3 =	sand.u32 $0x4000, s31;
	s1 =	sadd.s32 s1, s30  }
0xc3: {  	s0 =	sor.u32 s3, s0;
	s1 =	sshll.u32 s1, $0x11  }
0xc4: {  	s0 =	sor.u32 s1, s0  }
0xc5: {  	s0 =	sadd.s32 $0x8F2B, s0  }
0xc6: {  	[sflag:s0] =	ssyncadd.remote.s32 $0x1  }
0xc7: {  	_ =	sfence.sel $0xFFFF  }
0xc8: {  	[dreg:$0x0] =	wrdreg $0xFFFFFFFF;
	(pc) =	sbr.abs _section_cstart, $3  }
0xc9: {  	[dreg:$0x1] =	wrdreg $0xFFFFFFFF  }
0xca: {  	_ =	task.clear_ibuf [dreg:s10], $0x2FFFF;
	_ =	strace $0x9FFFFFFF  }
0xcb: {  	(tm) =	ssettm $0x7FFFFFFF  }
tec
execute0_lowered:
.L_overlay_start_1:
0x0: {  	(tag) =	ssettag $0x1  }
0x1: {  	s0 =	rddreg [dreg:$0x0]  }
0x2: {  	s11 =	rddreg [dreg:$0x1]  }
0x3: {  	s12 =	rddreg [dreg:$0x2]  }
0x4: {  	s13 =	rddreg [dreg:$0x3]  }
0x5: {  	s5 =	rddreg [dreg:$0x5]  }
0x6: {  	s6 =	rddreg [dreg:$0x6]  }
0x7: {  	s8 =	rddreg [dreg:$0x7];
	s1 =	srdreg.scid;
	s9 =	simm.s32 $0x0  }
0x8: {  	s14 =	stileid.u32;
	s1 =	sand.u32 $0x1, s1;
	[smem:$0x7FF] =	sst s9  }
0x9: {  	s3 =	sshll.u32 s14, $0x4;
	s23 =	sadd.s32 $0xA00, s0;
	s16 =	sshll.u32 s14, $0xD  }
0xa: {  	s17 =	sadd.s32 $0x4F000, s0;
	s25 =	sadd.s32 $0x4F200, s0;
	s2 =	sshll.u32 s1, $0x8  }
0xb: {  	_ =	strace $0x80000047;
	s10 =	smul.u32 $0xC0000, s1;
	[dreg:$0xc] =	wrdreg s17  }
0xc: {  	s26 =	ssub.s32 $0x2, s1;
	s22 =	smul.u32 $0x90, s1;
	[dreg:$0x13] =	wrdreg s25  }
0xd: {  	s7 =	sor.u32 $0x1000, s16;
	s1 =	smul.u32 $0x6, s1;
	[dreg:$0xb] =	wrdreg s16  }
0xe: {  	[dreg:$0x9] =	wrdreg s23;
	s15 =	sor.u32 s3, s2;
	s4 =	sshrl.u32 s26, $0x1  }
0xf: {  	s3 =	smul.u32 $0x3D0, s15;
	s2 =	ssub.s32 s26, s4;
	[dreg:$0x12] =	wrdreg s1  }
0x10: {  	s20 =	sor.u32 s16, s10;
	[dreg:$0xa] =	wrdreg s15;
	s10 =	smax.u32 s2, $0x1  }
0x11: {  	s18 =	sadd.s32 s7, s5;
	s2 =	sadd.s32 s16, s6;
	[dreg:$0x16] =	wrdreg s10  }
0x12: {  	s19 =	sadd.s32 s7, s6;
	s7 =	sadd.s32 s11, s3;
	[dreg:$0x1a] =	wrdreg s2  }
0x13: {  	p0 =	seq.s32 s14, $0xF;
	s21 =	sadd.s32 s12, s3;
	[dreg:$0xf] =	wrdreg s7  }
0x14: {  	s4 =	sadd.s32 $0xA0000, s20;
	s3 =	sadd.s32 s13, s3;
	[dreg:$0x10] =	wrdreg s21  }
0x15: {  	p1 =	sne.s32 s14, $0xF;
	s24 =	sshrl.u32 s4, $0x3;
	[dreg:$0x11] =	wrdreg s3  }
0x16: {  	s26 =	sadd.s32 s17, s24;
	s3 =	sadd.s32 s22, s13;
	s1 =	sadd.s32 s24, s25  }
0x17: {  	s13 =	sadd.s32 s22, s11;
	s11 =	smov.u32 s19;
	[dreg:$0x14] =	wrdreg s26  }
0x18: {  	s19 =	smul.u32 $0x7D40, s14;
	s14 =	sadd.s32 $0x77610, s8;
	[dreg:$0x15] =	wrdreg s1  }
0x19: {  	s17 =	smov.u32 s18;
	[smem:$0x7F7] =	sst s14  }
0x1a: {  	[dreg:$0xd] =	wrdreg s17  }
0x1b: {  	s12 =	sadd.s32 s22, s12;
	[dreg:$0xe] =	wrdreg s11  }
0x1c: {  	s26 =	sadd.s32 $0x7A000, s12;
	s12 =	sadd.s32 $0x756C0, s8;
	[dreg:$0x17] =	wrdreg s19  }
0x1d: {  	s28 =	sadd.s32 $0x7A000, s13;
	s13 =	sadd.s32 $0x76668, s8;
	[smem:$0x7F5] =	sst s12  }
0x1e: {  	s1 =	sadd.s32 s16, s5;
	s16 =	sadd.s32 $0x785B8, s8;
	[smem:$0x7F6] =	sst s13  }
0x1f: {  	[smem:$0x7F8] =	sst s16  }
0x20: {  	s20 =	sadd.s32 s19, s8;
	[dreg:$0x18] =	wrdreg s1  }
0x21: {  	s30 =	simm.s32 $0x9;
	s19 =	sadd.s32 $0x79560, s8;
	[dreg:$0x19] =	wrdreg s20  }
0x22: {  	s29 =	simm.s32 $0x1E040;
	s21 =	sadd.s32 $0xFA8, s20;
	[smem:$0x7F9] =	sst s19  }
0x23: {  	s31 =	simm.s32 $0x1E0C0;
	s22 =	sadd.s32 $0x1F50, s20;
	[dreg:$0x1b] =	wrdreg s21  }
0x24: {  	s24 =	sadd.s32 $0x7A000, s3;
	s25 =	sadd.s32 $0x2EF8, s20;
	[dreg:$0x1c] =	wrdreg s22  }
0x25: {  	s14 =	simm.s32 $0x1E1C0;
	s4 =	sadd.s32 $0x3EA0, s20;
	[dreg:$0x1d] =	wrdreg s25  }
0x26: {  	s3 =	simm.s32 $0x0;
	s7 =	sadd.s32 $0x4E48, s20;
	[dreg:$0x1e] =	wrdreg s4  }
0x27: {  	s13 =	simm.s32 $0x1;
	s10 =	sadd.s32 $0x5DF0, s20;
	[dreg:$0x1f] =	wrdreg s7  }
0x28: {  	s16 =	simm.s32 $0x1E80;
	s0 =	sadd.s32 $0x6D98, s20;
	[smem:$0x7F3] =	sst s10  }
0x29: {  	s20 =	sadd.s32 $0x7A508, s8;
	s19 =	simm.s32 $0x118C0;
	[smem:$0x7F4] =	sst s0  }
.Ltmp0:
0x2a: {  	[smem:$0x7FA] =	sst s20;
	s21 =	sadd.s32 $0x7B4B0, s8;
	(pc) =	sbr.rel .LBB2_1-.Ltmp0, $4  }
0x2b: {  	s22 =	sadd.s32 $0x7C458, s8;
	s25 =	sor.u32 $0x2, s15;
	[smem:$0x7FB] =	sst s21  }
0x2c: {  	s15 =	simm.s32 $0x1DFC0;
	s4 =	simm.s32 $0x80;
	[smem:$0x7FC] =	sst s22  }
0x2d: {  	s10 =	simm.s32 $0x1E140;
	s20 =	simm.s32 $0x8;
	[smem:$0x7FD] =	sst s25  }
0x2e: {  	s21 =	simm.s32 $0x3;
	s22 =	simm.s32 $0x2;
	s25 =	simm.s32 $0x4  }
.LBB2_16:
0x2f: {  	s3 =	sld [smem:$0x7F2];
	_ =	sdelay $0x2  }
0x30: {  	s0 =	rddreg [dreg:$0x16];
	s3 =	sadd.s32 $0x1, s3  }
0x31: {  	p2 =	sne.s32 s3, s0  }
.Ltmp1:
0x32: {  	_ = 	snop;
	(pc) =	sbr.rel @!p2 .LBB2_17-.Ltmp1, $1  }
0x33: {  	_ =	sdelay $0x3  }
.LBB2_1:
0x34: {  	[smem:$0x7F2] =	sst s3  }
.Ltmp2:
0x35: {  	s0 =	rddreg [dreg:$0x4];
	s17 =	simm.s32 $0x1CFC0;
	(pc) =	sbr.rel .LBB2_2-.Ltmp2, $4  }
0x36: {  	[tilespmem:s17], [sflag:$0x9] =	stream.linear.gather [hbm4b:s0+s9], $0x1000, $0x38;
	[tilespmem:$0x1E240] =	vst v63  }
0x37: {  	_ =	swait.ge [sflag:s30], $0x1000  }
0x38: {  	[sflag:s30] =	ssyncset.done $0x0  }
0x39: {  	s7 =	simm.s32 $0x0;
	s0 =	simm.s32 $0x1CFC0;
	[sflag:s30] =	ssyncadd.s32 $0xFFFFF000  }
.LBB2_15:
0x3a: {  	s0 =	rddreg [dreg:$0x12];
	[bflag:$0x0] =	sbarrier.arrive $0xFFFF  }
0x3b: {  	s0 =	sadd.s32 s0, s7;
	s23 =	rddreg [dreg:$0x18]  }
0x3c: {  	s3 =	simm.s32 $0x1CFC0;
	s1 =	rddreg [dreg:$0xb];
	s0 =	sshll.u32 s0, $0x11  }
0x3d: {  	[tilespmem:s3], [sflag:$0x9] =	stream.linear.gather [spmem:s23], $0x1000, $0x38;
	[tilespmem:$0x1E240] =	vst v63  }
0x3e: {  	s0 =	sor.u32 s1, s0;
	_ =	swait.ge [sflag:s30], $0x1000  }
0x3f: {  	[sflag:s30] =	ssyncset.done $0x0;
	s0 =	sshrl.u32 s0, $0x3;
	s11 =	rddreg [dreg:$0xc]  }
0x40: {  	[sflag:s30] =	ssyncadd.s32 $0xFFFFF000;
	s1 =	sadd.s32 s11, s0  }
0x41: {  	[hbm4b:s1+s9] =	stream.linear.scatter [tilespmem:s3], [sflag:$0x9], $0x1000, $0x38;
	[tilespmem:$0x1E240] =	vst v63  }
0x42: {  	_ =	swait.ge [sflag:s30], $0x1000  }
0x43: {  	[sflag:s30] =	ssyncset.done $0x0  }
0x44: {  	s12 =	rddreg [dreg:$0xd];
	[sflag:s30] =	ssyncadd.s32 $0xFFFFF000  }
0x45: {  	[tilespmem:s3], [sflag:$0x9] =	stream.linear.gather [spmem:s12], $0x1000, $0x38;
	[tilespmem:$0x1E240] =	vst v63  }
0x46: {  	_ =	swait.ge [sflag:s30], $0x1000  }
0x47: {  	[sflag:s30] =	ssyncset.done $0x0;
	s17 =	rddreg [dreg:$0x13]  }
0x48: {  	[sflag:s30] =	ssyncadd.s32 $0xFFFFF000;
	s0 =	sadd.s32 s0, s17  }
0x49: {  	[hbm4b:s0+s9] =	stream.linear.scatter [tilespmem:s3], [sflag:$0x9], $0x1000, $0x38;
	[tilespmem:$0x1E240] =	vst v63  }
0x4a: {  	_ =	swait.ge [sflag:s30], $0x1000  }
0x4b: {  	s1 =	simm.s32 @!p2 $0x9;
	[sflag:s30] =	ssyncset.done $0x0  }
0x4c: {  	s0 =	simm.s32 @!p2 $0x1CFC0;
	s2 =	rddreg [dreg:$0x1a];
	[sflag:s30] =	ssyncadd.s32 $0xFFFFF000  }
0x4d: {  	[tilespmem:s0], [sflag:$0x9] =	stream.linear.gather @!p2 [spmem:s2], $0x1000, $0x38;
	[tilespmem:$0x1E240] =	vst v63  }
0x4e: {  	_ =	swait.ge @!p2 [sflag:s1], $0x1000  }
0x4f: {  	s18 =	smov.u32 s12;
	[sflag:s1] =	ssyncset.done @!p2 $0x0  }
0x50: {  	s12 =	simm.s32 @!p2 $0x0;
	s11 =	rddreg [dreg:$0x14];
	[sflag:s1] =	ssyncadd.s32 @!p2 $0xFFFFF000  }
0x51: {  	[hbm4b:s11+s12] =	stream.linear.scatter @!p2 [tilespmem:s0], [sflag:$0x9], $0x1000, $0x38;
	[tilespmem:$0x1E240] =	vst v63  }
0x52: {  	_ =	swait.ge @!p2 [sflag:s1], $0x1000  }
0x53: {  	[sflag:s1] =	ssyncset.done @!p2 $0x0  }
0x54: {  	s11 =	rddreg [dreg:$0xe];
	[sflag:s1] =	ssyncadd.s32 @!p2 $0xFFFFF000  }
0x55: {  	[tilespmem:s0], [sflag:$0x9] =	stream.linear.gather @!p2 [spmem:s11], $0x1000, $0x38;
	[tilespmem:$0x1E240] =	vst v63  }
0x56: {  	_ =	swait.ge @!p2 [sflag:s1], $0x1000  }
0x57: {  	[sflag:s1] =	ssyncset.done @!p2 $0x0  }
0x58: {  	s17 =	simm.s32 @!p2 $0x0;
	s12 =	rddreg [dreg:$0x15];
	[sflag:s1] =	ssyncadd.s32 @!p2 $0xFFFFF000  }
0x59: {  	[hbm4b:s12+s17] =	stream.linear.scatter @!p2 [tilespmem:s0], [sflag:$0x9], $0x1000, $0x38;
	[tilespmem:$0x1E240] =	vst v63  }
0x5a: {  	_ =	swait.ge @!p2 [sflag:s1], $0x1000  }
0x5b: {  	s7 =	sadd.s32 $0x1, s7;
	[sflag:s1] =	ssyncset.done @!p2 $0x0  }
0x5c: {  	[sflag:s1] =	ssyncadd.s32 @!p2 $0xFFFFF000;
	p2 =	sne.s32 s7, $0x5  }
.Ltmp3:
0x5d: {  	s1 =	smov.u32 s23;
	s23 =	rddreg [dreg:$0x4];
	(pc) =	sbr.rel @!p2 .LBB2_16-.Ltmp3, $4  }
0x5e: {  	[tilespmem:s3], [sflag:$0x9] =	stream.linear.gather [hbm4b:s23+s9], $0x1000, $0x38;
	[tilespmem:$0x1E240] =	vst v63  }
0x5f: {  	_ =	swait.ge [sflag:s30], $0x1000  }
0x60: {  	[sflag:s30] =	ssyncset.done $0x0  }
0x61: {  	s0 =	simm.s32 $0x1CFC0;
	s23 =	rddreg [dreg:$0x9];
	[sflag:s30] =	ssyncadd.s32 $0xFFFFF000  }
.LBB2_2:
0x62: {  	[spmem:s1] =	stream.linear.scatter [tilespmem:s0], [sflag:$0x9], $0x1000, $0x38;
	[tilespmem:$0x1E240] =	vst v63  }
0x63: {  	_ =	swait.ge [sflag:s30], $0x1000  }
0x64: {  	[sflag:s30] =	ssyncset.done $0x0  }
0x65: {  	[sflag:s30] =	ssyncadd.s32 $0xFFFFF000  }
0x66: {  	[spmem:s18] =	stream.linear.scatter [tilespmem:s0], [sflag:$0x9], $0x1000, $0x38;
	[tilespmem:$0x1E240] =	vst v63  }
0x67: {  	_ =	swait.ge [sflag:s30], $0x1000  }
0x68: {  	p2 =	sne.s32 s7, $0x0;
	[sflag:s30] =	ssyncset.done $0x0  }
0x69: {  	s0 =	simm.s32 @!p2 $0x1CFC0;
	[sflag:s30] =	ssyncadd.s32 $0xFFFFF000  }
0x6a: {  	[spmem:s2] =	stream.linear.scatter @!p2 [tilespmem:s0], [sflag:$0x9], $0x1000, $0x38;
	[tilespmem:$0x1E240] =	vst v63  }
0x6b: {  	s2 =	simm.s32 @!p2 $0x9  }
0x6c: {  	_ =	swait.ge @!p2 [sflag:s2], $0x1000  }
0x6d: {  	[sflag:s2] =	ssyncset.done @!p2 $0x0  }
0x6e: {  	[sflag:s2] =	ssyncadd.s32 @!p2 $0xFFFFF000  }
0x6f: {  	[spmem:s11] =	stream.linear.scatter @!p2 [tilespmem:s0], [sflag:$0x9], $0x1000, $0x38;
	[tilespmem:$0x1E240] =	vst v63  }
0x70: {  	s12 =	smul.u32 $0x7D3E8, s7;
	_ =	swait.ge @!p2 [sflag:s2], $0x1000  }
0x71: {  	s17 =	rddreg [dreg:$0x17]  }
0x72: {  	s1 =	sadd.s32 s17, s12  }
0x73: {  	s11 =	simm.s32 $0x192C0;
	[sflag:s2] =	ssyncset.done @!p2 $0x0;
	s0 =	sshrl.u32 s1, $0x3  }
.Ltmp4:
0x74: {  	[sflag:s2] =	ssyncadd.s32 @!p2 $0xFFFFF000;
	s12 =	sadd.s32 s23, s0;
	(pc) =	sbr.rel @!p0 .LBB2_3-.Ltmp4, $4  }
0x75: {  	[tilespmem:s11], [sflag:$0x9] =	stream.linear.gather [hbm4b:s12+s9], $0xFA8, $0x38;
	[tilespmem:$0x1E240] =	vst v63  }
0x76: {  	s18 =	sadd.s32 $0xFA8, s1;
	_ =	swait.ge [sflag:s30], $0xFA8  }
0x77: {  	s0 =	sshrl.u32 s18, $0x3;
	[sflag:s30] =	ssyncset.done $0x0  }
0x78: {  	s2 =	sadd.s32 s23, s0;
	s0 =	sadd.s32 $0x3EA, s12;
	[sflag:s30] =	ssyncadd.s32 $0xFFFFF058  }
0x79: {  	s3 =	sld [smem:$0x7F5];
	_ =	sdelay $0x2  }
0x7a: {  	[spmem:s3] =	stream.linear.scatter [tilespmem:s11], [sflag:$0x9], $0xFA8, $0x38;
	[tilespmem:$0x1E240] =	vst v63  }
0x7b: {  	_ =	swait.ge [sflag:s30], $0xFA8  }
0x7c: {  	[sflag:s30] =	ssyncset.done $0x0  }
0x7d: {  	[sflag:s30] =	ssyncadd.s32 $0xFFFFF058  }
0x7e: {  	[tilespmem:s11], [sflag:$0x9] =	stream.linear.gather [hbm4b:s2+s9], $0xFA8, $0x38;
	[tilespmem:$0x1E240] =	vst v63  }
0x7f: {  	_ =	swait.ge [sflag:s30], $0xFA8  }
0x80: {  	s17 =	sld [smem:$0x7F6]  }
0x81: {  	[sflag:s30] =	ssyncset.done $0x0  }
0x82: {  	[sflag:s30] =	ssyncadd.s32 $0xFFFFF058  }
0x83: {  	[spmem:s17] =	stream.linear.scatter [tilespmem:s11], [sflag:$0x9], $0xFA8, $0x38;
	[tilespmem:$0x1E240] =	vst v63  }
0x84: {  	_ =	swait.ge [sflag:s30], $0xFA8  }
0x85: {  	[sflag:s30] =	ssyncset.done $0x0  }
0x86: {  	[sflag:s30] =	ssyncadd.s32 $0xFFFFF058  }
0x87: {  	[tilespmem:s11], [sflag:$0x9] =	stream.linear.gather [hbm4b:s0+s9], $0xFA8, $0x38;
	[tilespmem:$0x1E240] =	vst v63  }
0x88: {  	_ =	swait.ge [sflag:s30], $0xFA8  }
0x89: {  	s18 =	sld [smem:$0x7F7]  }
0x8a: {  	[sflag:s30] =	ssyncset.done $0x0  }
0x8b: {  	[sflag:s30] =	ssyncadd.s32 $0xFFFFF058  }
0x8c: {  	[spmem:s18] =	stream.linear.scatter [tilespmem:s11], [sflag:$0x9], $0xFA8, $0x38;
	[tilespmem:$0x1E240] =	vst v63  }
0x8d: {  	s2 =	sadd.s32 $0x2EF8, s1;
	_ =	swait.ge [sflag:s30], $0xFA8  }
0x8e: {  	s0 =	sshrl.u32 s2, $0x3;
	[sflag:s30] =	ssyncset.done $0x0  }
0x8f: {  	s0 =	sadd.s32 s23, s0;
	[sflag:s30] =	ssyncadd.s32 $0xFFFFF058  }
0x90: {  	[tilespmem:s11], [sflag:$0x9] =	stream.linear.gather [hbm4b:s0+s9], $0xFA8, $0x38;
	[tilespmem:$0x1E240] =	vst v63  }
0x91: {  	_ =	swait.ge [sflag:s30], $0xFA8  }
0x92: {  	s3 =	sld [smem:$0x7F8]  }
0x93: {  	[sflag:s30] =	ssyncset.done $0x0  }
0x94: {  	[sflag:s30] =	ssyncadd.s32 $0xFFFFF058  }
0x95: {  	[spmem:s3] =	stream.linear.scatter [tilespmem:s11], [sflag:$0x9], $0xFA8, $0x38;
	[tilespmem:$0x1E240] =	vst v63  }
0x96: {  	_ =	swait.ge [sflag:s30], $0xFA8  }
0x97: {  	[sflag:s30] =	ssyncset.done $0x0  }
0x98: {  	s17 =	sadd.s32 $0x7D4, s12;
	[sflag:s30] =	ssyncadd.s32 $0xFFFFF058  }
0x99: {  	[tilespmem:s11], [sflag:$0x9] =	stream.linear.gather [hbm4b:s17+s9], $0xFA8, $0x38;
	[tilespmem:$0x1E240] =	vst v63  }
0x9a: {  	_ =	swait.ge [sflag:s30], $0xFA8  }
0x9b: {  	s18 =	sld [smem:$0x7F9]  }
0x9c: {  	[sflag:s30] =	ssyncset.done $0x0  }
0x9d: {  	[sflag:s30] =	ssyncadd.s32 $0xFFFFF058  }
0x9e: {  	[spmem:s18] =	stream.linear.scatter [tilespmem:s11], [sflag:$0x9], $0xFA8, $0x38;
	[tilespmem:$0x1E240] =	vst v63  }
0x9f: {  	s2 =	sadd.s32 $0x4E48, s1;
	_ =	swait.ge [sflag:s30], $0xFA8  }
0xa0: {  	s0 =	sshrl.u32 s2, $0x3;
	[sflag:s30] =	ssyncset.done $0x0  }
0xa1: {  	s0 =	sadd.s32 s23, s0;
	[sflag:s30] =	ssyncadd.s32 $0xFFFFF058  }
0xa2: {  	[tilespmem:s11], [sflag:$0x9] =	stream.linear.gather [hbm4b:s0+s9], $0xFA8, $0x38;
	[tilespmem:$0x1E240] =	vst v63  }
0xa3: {  	_ =	swait.ge [sflag:s30], $0xFA8  }
0xa4: {  	s3 =	sld [smem:$0x7FA]  }
0xa5: {  	[sflag:s30] =	ssyncset.done $0x0  }
0xa6: {  	[sflag:s30] =	ssyncadd.s32 $0xFFFFF058  }
0xa7: {  	[spmem:s3] =	stream.linear.scatter [tilespmem:s11], [sflag:$0x9], $0xFA8, $0x38;
	[tilespmem:$0x1E240] =	vst v63  }
0xa8: {  	_ =	swait.ge [sflag:s30], $0xFA8  }
0xa9: {  	[sflag:s30] =	ssyncset.done $0x0  }
0xaa: {  	s12 =	sadd.s32 $0xBBE, s12;
	[sflag:s30] =	ssyncadd.s32 $0xFFFFF058  }
0xab: {  	[tilespmem:s11], [sflag:$0x9] =	stream.linear.gather [hbm4b:s12+s9], $0xFA8, $0x38;
	[tilespmem:$0x1E240] =	vst v63  }
0xac: {  	_ =	swait.ge [sflag:s30], $0xFA8  }
0xad: {  	s17 =	sld [smem:$0x7FB]  }
0xae: {  	[sflag:s30] =	ssyncset.done $0x0  }
0xaf: {  	[sflag:s30] =	ssyncadd.s32 $0xFFFFF058  }
0xb0: {  	[spmem:s17] =	stream.linear.scatter [tilespmem:s11], [sflag:$0x9], $0xFA8, $0x38;
	[tilespmem:$0x1E240] =	vst v63  }
0xb1: {  	s18 =	sadd.s32 $0x6D98, s1;
	_ =	swait.ge [sflag:s30], $0xFA8  }
0xb2: {  	s0 =	sshrl.u32 s18, $0x3;
	[sflag:s30] =	ssyncset.done $0x0  }
0xb3: {  	s0 =	sadd.s32 s23, s0;
	[sflag:s30] =	ssyncadd.s32 $0xFFFFF058  }
0xb4: {  	[tilespmem:s11], [sflag:$0x9] =	stream.linear.gather [hbm4b:s0+s9], $0xF90, $0x38;
	[tilespmem:$0x1E240] =	vst v63  }
0xb5: {  	_ =	swait.ge [sflag:s30], $0xF90  }
0xb6: {  	s23 =	sld [smem:$0x7FC]  }
0xb7: {  	[sflag:s30] =	ssyncset.done $0x0  }
.Ltmp5:
0xb8: {  	[sflag:s30] =	ssyncadd.s32 $0xFFFFF070;
	(pc) =	sbr.rel .LBB2_5-.Ltmp5, $4  }
0xb9: {  	[spmem:s23] =	stream.linear.scatter [tilespmem:s11], [sflag:$0x9], $0xF90, $0x38;
	[tilespmem:$0x1E240] =	vst v63  }
0xba: {  	_ =	swait.ge [sflag:s30], $0xF90  }
0xbb: {  	[sflag:s30] =	ssyncset.done $0x0  }
0xbc: {  	s18 =	simm.s32 $0xDBC0;
	s17 =	simm.s32 $0x192C0;
	[sflag:s30] =	ssyncadd.s32 $0xFFFFF070  }
.LBB2_3:
0xbd: {  	s3 =	rddreg [dreg:$0x19]  }
0xbe: {  	[spmem:s3] =	stream.linear.scatter [tilespmem:s11], [sflag:$0x9], $0xFA8, $0x38;
	[tilespmem:$0x1E240] =	vst v63  }
0xbf: {  	_ =	swait.ge [sflag:s30], $0xFA8  }
0xc0: {  	[sflag:s30] =	ssyncset.done $0x0  }
0xc1: {  	[sflag:s30] =	ssyncadd.s32 $0xFFFFF058  }
0xc2: {  	[tilespmem:s11], [sflag:$0x9] =	stream.linear.gather [hbm4b:s2+s9], $0xFA8, $0x38;
	[tilespmem:$0x1E240] =	vst v63  }
0xc3: {  	_ =	swait.ge [sflag:s30], $0xFA8  }
0xc4: {  	[sflag:s30] =	ssyncset.done $0x0  }
0xc5: {  	s17 =	rddreg [dreg:$0x1b];
	[sflag:s30] =	ssyncadd.s32 $0xFFFFF058  }
0xc6: {  	[spmem:s17] =	stream.linear.scatter [tilespmem:s11], [sflag:$0x9], $0xFA8, $0x38;
	[tilespmem:$0x1E240] =	vst v63  }
0xc7: {  	_ =	swait.ge [sflag:s30], $0xFA8  }
0xc8: {  	[sflag:s30] =	ssyncset.done $0x0  }
0xc9: {  	[sflag:s30] =	ssyncadd.s32 $0xFFFFF058  }
0xca: {  	[tilespmem:s11], [sflag:$0x9] =	stream.linear.gather [hbm4b:s0+s9], $0xFA8, $0x38;
	[tilespmem:$0x1E240] =	vst v63  }
0xcb: {  	_ =	swait.ge [sflag:s30], $0xFA8  }
0xcc: {  	[sflag:s30] =	ssyncset.done $0x0  }
0xcd: {  	s18 =	rddreg [dreg:$0x1c];
	[sflag:s30] =	ssyncadd.s32 $0xFFFFF058  }
0xce: {  	[spmem:s18] =	stream.linear.scatter [tilespmem:s11], [sflag:$0x9], $0xFA8, $0x38;
	[tilespmem:$0x1E240] =	vst v63  }
0xcf: {  	s2 =	sadd.s32 $0x2EF8, s1;
	_ =	swait.ge [sflag:s30], $0xFA8  }
0xd0: {  	s0 =	sshrl.u32 s2, $0x3;
	[sflag:s30] =	ssyncset.done $0x0  }
0xd1: {  	s0 =	sadd.s32 s23, s0;
	[sflag:s30] =	ssyncadd.s32 $0xFFFFF058  }
0xd2: {  	[tilespmem:s11], [sflag:$0x9] =	stream.linear.gather [hbm4b:s0+s9], $0xFA8, $0x38;
	[tilespmem:$0x1E240] =	vst v63  }
0xd3: {  	_ =	swait.ge [sflag:s30], $0xFA8  }
0xd4: {  	[sflag:s30] =	ssyncset.done $0x0  }
0xd5: {  	s3 =	rddreg [dreg:$0x1d];
	[sflag:s30] =	ssyncadd.s32 $0xFFFFF058  }
0xd6: {  	[spmem:s3] =	stream.linear.scatter [tilespmem:s11], [sflag:$0x9], $0xFA8, $0x38;
	[tilespmem:$0x1E240] =	vst v63  }
0xd7: {  	_ =	swait.ge [sflag:s30], $0xFA8  }
0xd8: {  	[sflag:s30] =	ssyncset.done $0x0  }
0xd9: {  	s17 =	sadd.s32 $0x7D4, s12;
	[sflag:s30] =	ssyncadd.s32 $0xFFFFF058  }
0xda: {  	[tilespmem:s11], [sflag:$0x9] =	stream.linear.gather [hbm4b:s17+s9], $0xFA8, $0x38;
	[tilespmem:$0x1E240] =	vst v63  }
0xdb: {  	_ =	swait.ge [sflag:s30], $0xFA8  }
0xdc: {  	[sflag:s30] =	ssyncset.done $0x0  }
0xdd: {  	s18 =	rddreg [dreg:$0x1e];
	[sflag:s30] =	ssyncadd.s32 $0xFFFFF058  }
0xde: {  	[spmem:s18] =	stream.linear.scatter [tilespmem:s11], [sflag:$0x9], $0xFA8, $0x38;
	[tilespmem:$0x1E240] =	vst v63  }
0xdf: {  	s2 =	sadd.s32 $0x4E48, s1;
	_ =	swait.ge [sflag:s30], $0xFA8  }
0xe0: {  	s0 =	sshrl.u32 s2, $0x3;
	[sflag:s30] =	ssyncset.done $0x0  }
0xe1: {  	s0 =	sadd.s32 s23, s0;
	[sflag:s30] =	ssyncadd.s32 $0xFFFFF058  }
0xe2: {  	[tilespmem:s11], [sflag:$0x9] =	stream.linear.gather [hbm4b:s0+s9], $0xFA8, $0x38;
	[tilespmem:$0x1E240] =	vst v63  }
0xe3: {  	_ =	swait.ge [sflag:s30], $0xFA8  }
0xe4: {  	[sflag:s30] =	ssyncset.done $0x0  }
0xe5: {  	s3 =	rddreg [dreg:$0x1f];
	[sflag:s30] =	ssyncadd.s32 $0xFFFFF058  }
0xe6: {  	[spmem:s3] =	stream.linear.scatter [tilespmem:s11], [sflag:$0x9], $0xFA8, $0x38;
	[tilespmem:$0x1E240] =	vst v63  }
0xe7: {  	_ =	swait.ge [sflag:s30], $0xFA8  }
0xe8: {  	[sflag:s30] =	ssyncset.done $0x0  }
0xe9: {  	s12 =	sadd.s32 $0xBBE, s12;
	[sflag:s30] =	ssyncadd.s32 $0xFFFFF058  }
0xea: {  	[tilespmem:s11], [sflag:$0x9] =	stream.linear.gather [hbm4b:s12+s9], $0xFA8, $0x38;
	[tilespmem:$0x1E240] =	vst v63  }
0xeb: {  	_ =	swait.ge [sflag:s30], $0xFA8  }
0xec: {  	s17 =	sld [smem:$0x7F3]  }
0xed: {  	[sflag:s30] =	ssyncset.done $0x0  }
0xee: {  	[sflag:s30] =	ssyncadd.s32 $0xFFFFF058  }
0xef: {  	[spmem:s17] =	stream.linear.scatter [tilespmem:s11], [sflag:$0x9], $0xFA8, $0x38;
	[tilespmem:$0x1E240] =	vst v63  }
0xf0: {  	s18 =	sadd.s32 $0x6D98, s1;
	_ =	swait.ge [sflag:s30], $0xFA8  }
0xf1: {  	s0 =	sshrl.u32 s18, $0x3;
	[sflag:s30] =	ssyncset.done $0x0  }
0xf2: {  	s0 =	sadd.s32 s23, s0;
	[sflag:s30] =	ssyncadd.s32 $0xFFFFF058  }
0xf3: {  	[tilespmem:s11], [sflag:$0x9] =	stream.linear.gather [hbm4b:s0+s9], $0xFA8, $0x38;
	[tilespmem:$0x1E240] =	vst v63  }
0xf4: {  	_ =	swait.ge [sflag:s30], $0xFA8  }
0xf5: {  	s23 =	sld [smem:$0x7F4]  }
0xf6: {  	[sflag:s30] =	ssyncset.done $0x0  }
0xf7: {  	[sflag:s30] =	ssyncadd.s32 $0xFFFFF058  }
0xf8: {  	[spmem:s23] =	stream.linear.scatter [tilespmem:s11], [sflag:$0x9], $0xFA8, $0x38;
	[tilespmem:$0x1E240] =	vst v63  }
0xf9: {  	_ =	swait.ge [sflag:s30], $0xFA8  }
0xfa: {  	[sflag:s30] =	ssyncset.done $0x0  }
0xfb: {  	s18 =	simm.s32 $0xDBC0;
	s17 =	simm.s32 $0x192C0;
	[sflag:s30] =	ssyncadd.s32 $0xFFFFF058  }
.LBB2_5:
0xfc: {  	[bflag:$0x0] =	sbarrier.arrive $0xFFFF  }
0xfd: {  	s12 =	simm.s32 $0x0;
	s1 =	simm.s32 $0xBD40;
	s0 =	rddreg [dreg:$0xf]  }
0xfe: {  	[tilespmem:s1], [sflag:$0x1] =	stream.linear.gather [hbm4b:s0+s12], $0x1E80, $0x38;
	[tilespmem:$0x1E240] =	vst v63  }
0xff: {  	s3 =	simm.s32 $0xFA40;
	s2 =	rddreg [dreg:$0x10]  }
0x100: {  	[tilespmem:s3], [sflag:$0x1] =	stream.linear.gather [hbm4b:s2+s12], $0x1E80, $0x38;
	[tilespmem:$0x1E240] =	vst v63  }
0x101: {  	s23 =	simm.s32 $0x13740;
	s11 =	rddreg [dreg:$0x11];
	s1 =	simm.s32 $0x0  }
0x102: {  	[tilespmem:s23], [sflag:$0x1] =	stream.linear.gather [hbm4b:s11+s12], $0x1E80, $0x38;
	[tilespmem:$0x1E240] =	vst v63  }
.LBB2_6:
0x103: {  	_ =	swait.ge [sflag:s13], $0x1E80  }
0x104: {  	[sflag:s13] =	ssyncset.done $0x0  }
0x105: {  	[sflag:s13] =	ssyncadd.s32 $0xFFFFE180  }
0x106: {  	_ =	swait.ge [sflag:s13], $0x1E80  }
0x107: {  	[sflag:s13] =	ssyncset.done $0x0  }
0x108: {  	[sflag:s13] =	ssyncadd.s32 $0xFFFFE180  }
0x109: {  	_ =	swait.ge [sflag:s13], $0x1E80  }
0x10a: {  	s0 =	simm.s32 $0xFA40;
	p3 =	seq.s32 s1, $0x0;
	[sflag:s13] =	ssyncset.done $0x0  }
0x10b: {  	s2 =	simm.s32 $0x17440;
	s3 =	simm.s32 @!p3 $0x5;
	[sflag:s13] =	ssyncadd.s32 $0xFFFFE180  }
0x10c: {  	[tilespmem:s2], [sflag:$0x3] =	stream.indirect.gather [spmem:s8], $0x1, s0, s16, $0xb8;
	[tilespmem:$0x1E240] =	vst v63  }
0x10d: {  	p4 =	sne.s32 @!p3 s7, $0x0;
	_ =	swait.ge @!p3 [sflag:s3], $0x1E80  }
0x10e: {  	p4 =	por p4, p3;
	[sflag:s3] =	ssyncset.done @!p3 $0x0  }
0x10f: {  	s0 =	sshll.u32 s1, $0x1;
	[sflag:s3] =	ssyncadd.s32 @!p3 $0xFFFFE180;
	s3 =	simm.s32 @!p4 $0x7  }
0x110: {  	s2 =	sor.u32 $0x1, s0;
	s11 =	rddreg [dreg:$0xa];
	_ =	swait.ge @!p4 [sflag:s3], $0x1E80  }
0x111: {  	s11 =	sor.u32 s11, s2;
	[sflag:s3] =	ssyncset.done @!p4 $0x0  }
0x112: {  	s11 =	smul.u32 $0x3D0, s11;
	[sflag:s3] =	ssyncadd.s32 @!p4 $0xFFFFE180  }
0x113: {  	s3 =	rddreg [dreg:$0x1]  }
0x114: {  	s23 =	rddreg [dreg:$0x2];
	s3 =	sadd.s32 s3, s11  }
0x115: {  	[tilespmem:s18], [sflag:$0x2] =	stream.linear.gather [hbm4b:s3+s12], $0x1E80, $0x38;
	[tilespmem:$0x1E240] =	vst v63  }
0x116: {  	s3 =	sadd.s32 s23, s11;
	s23 =	rddreg [dreg:$0x3]  }
0x117: {  	[tilespmem:s19], [sflag:$0x2] =	stream.linear.gather [hbm4b:s3+s12], $0x1E80, $0x38;
	[tilespmem:$0x1E240] =	vst v63  }
0x118: {  	s3 =	sadd.s32 s23, s11;
	s23 =	simm.s32 $0x155C0  }
0x119: {  	[tilespmem:s23], [sflag:$0x2] =	stream.linear.gather [hbm4b:s3+s12], $0x1E80, $0x38;
	[tilespmem:$0x1E240] =	vst v63  }
0x11a: {  	_ =	swait.ge [sflag:s21], $0x1E80  }
0x11b: {  	[sflag:s21] =	ssyncset.done $0x0  }
0x11c: {  	s3 =	simm.s32 $0x0;
	[sflag:s21] =	ssyncadd.s32 $0xFFFFE180  }
0x11d: {  	v2 =	vld [tilespmem:s3+$0x13770]  }
0x11e: {  	v4 =	vld [tilespmem:s3+$0x17470]  }
0x11f: {  	v5 =	vld [tilespmem:s3+$0x13740]  }
0x120: {  	v6 =	vld [tilespmem:s3+$0x17440]  }
0x121: {  	v1 =	vld [tilespmem:s3+$0x13750]  }
0x122: {  	v3 =	vld [tilespmem:s3+$0x17450]  }
0x123: {  	v0 =	vld [tilespmem:s3+$0x13760];
	v7 =	vmul.f32 v4, v2  }
0x124: {  	s11 =	simm.s32 $0x40;
	v4 =	vld [tilespmem:s3+$0x17460]  }
0x125: {  	s23 =	simm.s32 $0x200;
	v2 =	vld [tilespmem:s11+$0x13770];
	v5 =	vmul.f32 v6, v5;
	[tilespmem:s3+$0x192F0] =	vst v7  }
.LBB2_7:
0x126: {  	p3 =	sne.s32 s23, $0x7900;
	v6 =	vld [tilespmem:s11+$0x17470]  }
0x127: {  	v7 =	vld [tilespmem:s11+$0x13740];
	[tilespmem:s3+$0x192C0] =	vst v5;
	v3 =	vmul.f32 v3, v1  }
0x128: {  	v5 =	vld [tilespmem:s11+$0x17440]  }
.Ltmp6:
0x129: {  	v1 =	vld [tilespmem:s11+$0x13750];
	[tilespmem:s3+$0x192D0] =	vst v3;
	v4 =	vmul.f32 v4, v0;
	(pc) =	sbr.rel @p3 .LBB2_7-.Ltmp6, $4  }
0x12a: {  	v3 =	vld [tilespmem:s11+$0x17450]  }
0x12b: {  	v0 =	vld [tilespmem:s11+$0x13760];
	v6 =	vmul.f32 v6, v2;
	[tilespmem:s3+$0x192E0] =	vst v4;
	s3 =	smov.u32 s11  }
0x12c: {  	s11 =	sshra.s32 s23, $0x2;
	v4 =	vld [tilespmem:s3+$0x17460]  }
0x12d: {  	s23 =	sadd.s32 $0x100, s23;
	v2 =	vld [tilespmem:s11+$0x13770];
	v5 =	vmul.f32 v5, v7;
	[tilespmem:s3+$0x192F0] =	vst v6  }
0x12e: {  	v6 =	vld [tilespmem:s11+$0x17470]  }
0x12f: {  	v7 =	vld [tilespmem:s11+$0x13740];
	[tilespmem:s3+$0x192C0] =	vst v5;
	v1 =	vmul.f32 v3, v1  }
0x130: {  	v3 =	vld [tilespmem:s11+$0x17440]  }
0x131: {  	v5 =	vld [tilespmem:s11+$0x13750];
	[tilespmem:s3+$0x192D0] =	vst v1;
	v0 =	vmul.f32 v4, v0  }
0x132: {  	v1 =	vld [tilespmem:s11+$0x17450]  }
0x133: {  	v4 =	vld [tilespmem:s11+$0x13760];
	[tilespmem:s3+$0x192E0] =	vst v0  }
0x134: {  	v0 =	vld [tilespmem:s11+$0x17460];
	_ =	sdelay $0x1  }
0x135: {  	v2 =	vmul.f32 v6, v2  }
0x136: {  	v3 =	vmul.f32 v3, v7  }
0x137: {  	[tilespmem:s11+$0x192F0] =	vst v2;
	v1 =	vmul.f32 v1, v5  }
0x138: {  	[tilespmem:s11+$0x192C0] =	vst v3;
	v0 =	vmul.f32 v0, v4  }
0x139: {  	[tilespmem:s11+$0x192D0] =	vst v1  }
0x13a: {  	[tilespmem:s11+$0x192E0] =	vst v0;
	s11 =	simm.s32 $0xBD40  }
0x13b: {  	[spmem:s5] =	stream.indirect.scatter.add.f32 [tilespmem:s17], [sflag:$0x4], $0x1, s11, s16, $0xb8;
	[tilespmem:$0x1E240] =	vst v63  }
0x13c: {  	s23 =	simm.s32 @!p2 $0x13740;
	s3 =	simm.s32 @!p2 $0x1E80;
	s11 =	simm.s32 @!p2 $0xBD40  }
0x13d: {  	[spmem:s6] =	stream.indirect.scatter.add.f32 @!p2 [tilespmem:s23], [sflag:$0x6], $0x1, s11, s3, $0xb8;
	[tilespmem:$0x1E240] =	vst v63  }
0x13e: {  	_ =	swait.ge [sflag:s22], $0x1E80  }
0x13f: {  	[sflag:s22] =	ssyncset.done $0x0  }
0x140: {  	[sflag:s22] =	ssyncadd.s32 $0xFFFFE180  }
0x141: {  	_ =	swait.ge [sflag:s22], $0x1E80  }
0x142: {  	[sflag:s22] =	ssyncset.done $0x0  }
0x143: {  	[sflag:s22] =	ssyncadd.s32 $0xFFFFE180  }
0x144: {  	_ =	swait.ge [sflag:s22], $0x1E80  }
0x145: {  	[sflag:s22] =	ssyncset.done $0x0  }
0x146: {  	s23 =	simm.s32 $0x17440;
	[sflag:s22] =	ssyncadd.s32 $0xFFFFE180  }
0x147: {  	[tilespmem:s23], [sflag:$0x3] =	stream.indirect.gather [spmem:s8], $0x1, s19, s16, $0xb8;
	[tilespmem:$0x1E240] =	vst v63  }
0x148: {  	_ =	swait.ge [sflag:s25], $0x1E80  }
0x149: {  	[sflag:s25] =	ssyncset.done $0x0  }
0x14a: {  	s3 =	simm.s32 @!p2 $0x6;
	[sflag:s25] =	ssyncadd.s32 $0xFFFFE180  }
0x14b: {  	_ =	swait.ge @!p2 [sflag:s3], $0x1E80  }
0x14c: {  	p3 =	sgt.u32 s2, $0xE;
	s2 =	sld [smem:$0x7FD];
	_ =	sdelay $0x2  }
0x14d: {  	[sflag:s3] =	ssyncset.done @!p2 $0x0;
	s0 =	sadd.s32 @!p3 s0, s2  }
0x14e: {  	[sflag:s3] =	ssyncadd.s32 @!p2 $0xFFFFE180;
	s0 =	smul.u32 @!p3 $0x3D0, s0  }
0x14f: {  	s2 =	rddreg [dreg:$0x1]  }
0x150: {  	s11 =	simm.s32 @!p3 $0xBD40;
	s3 =	simm.s32 @!p3 $0x0;
	s2 =	sadd.s32 @!p3 s2, s0  }
0x151: {  	[tilespmem:s11], [sflag:$0x1] =	stream.linear.gather @!p3 [hbm4b:s2+s3], $0x1E80, $0x38;
	[tilespmem:$0x1E240] =	vst v63  }
0x152: {  	s2 =	rddreg [dreg:$0x2]  }
0x153: {  	s11 =	simm.s32 @!p3 $0xFA40;
	s2 =	sadd.s32 @!p3 s2, s0  }
0x154: {  	[tilespmem:s11], [sflag:$0x1] =	stream.linear.gather @!p3 [hbm4b:s2+s3], $0x1E80, $0x38;
	[tilespmem:$0x1E240] =	vst v63  }
0x155: {  	s2 =	rddreg [dreg:$0x3]  }
0x156: {  	s0 =	sadd.s32 @!p3 s2, s0;
	s2 =	simm.s32 @!p3 $0x13740  }
0x157: {  	[tilespmem:s2], [sflag:$0x1] =	stream.linear.gather @!p3 [hbm4b:s0+s3], $0x1E80, $0x38;
	[tilespmem:$0x1E240] =	vst v63  }
0x158: {  	_ =	swait.ge [sflag:s21], $0x1E80  }
0x159: {  	[sflag:s21] =	ssyncset.done $0x0  }
0x15a: {  	s0 =	simm.s32 $0x0;
	[sflag:s21] =	ssyncadd.s32 $0xFFFFE180  }
0x15b: {  	v2 =	vld [tilespmem:s0+$0x155F0]  }
0x15c: {  	v4 =	vld [tilespmem:s0+$0x17470]  }
0x15d: {  	v5 =	vld [tilespmem:s0+$0x155C0]  }
0x15e: {  	v6 =	vld [tilespmem:s0+$0x17440]  }
0x15f: {  	v1 =	vld [tilespmem:s0+$0x155D0]  }
0x160: {  	v3 =	vld [tilespmem:s0+$0x17450]  }
0x161: {  	v0 =	vld [tilespmem:s0+$0x155E0];
	v7 =	vmul.f32 v4, v2  }
0x162: {  	s2 =	simm.s32 $0x40;
	v4 =	vld [tilespmem:s0+$0x17460]  }
0x163: {  	s3 =	simm.s32 $0x200;
	v2 =	vld [tilespmem:s2+$0x155F0];
	v5 =	vmul.f32 v6, v5;
	[tilespmem:s0+$0x1B170] =	vst v7  }
.LBB2_9:
0x164: {  	p3 =	sne.s32 s3, $0x7900;
	v6 =	vld [tilespmem:s2+$0x17470]  }
0x165: {  	v7 =	vld [tilespmem:s2+$0x155C0];
	[tilespmem:s0+$0x1B140] =	vst v5;
	v3 =	vmul.f32 v3, v1  }
0x166: {  	v5 =	vld [tilespmem:s2+$0x17440]  }
.Ltmp7:
0x167: {  	v1 =	vld [tilespmem:s2+$0x155D0];
	[tilespmem:s0+$0x1B150] =	vst v3;
	v4 =	vmul.f32 v4, v0;
	(pc) =	sbr.rel @p3 .LBB2_9-.Ltmp7, $4  }
0x168: {  	v3 =	vld [tilespmem:s2+$0x17450]  }
0x169: {  	v0 =	vld [tilespmem:s2+$0x155E0];
	v6 =	vmul.f32 v6, v2;
	[tilespmem:s0+$0x1B160] =	vst v4;
	s0 =	smov.u32 s2  }
0x16a: {  	s2 =	sshra.s32 s3, $0x2;
	v4 =	vld [tilespmem:s0+$0x17460]  }
0x16b: {  	s3 =	sadd.s32 $0x100, s3;
	v2 =	vld [tilespmem:s2+$0x155F0];
	v5 =	vmul.f32 v5, v7;
	[tilespmem:s0+$0x1B170] =	vst v6  }
0x16c: {  	v6 =	vld [tilespmem:s2+$0x17470]  }
0x16d: {  	v7 =	vld [tilespmem:s2+$0x155C0];
	[tilespmem:s0+$0x1B140] =	vst v5;
	v1 =	vmul.f32 v3, v1  }
0x16e: {  	v62 =	vld [tilespmem:s2+$0x17440]  }
0x16f: {  	v5 =	vld [tilespmem:s2+$0x155D0];
	[tilespmem:s0+$0x1B150] =	vst v1;
	v0 =	vmul.f32 v4, v0  }
0x170: {  	v1 =	vld [tilespmem:s2+$0x17450]  }
0x171: {  	v63 =	vld [tilespmem:s2+$0x155E0];
	[tilespmem:s0+$0x1B160] =	vst v0  }
0x172: {  	v0 =	vld [tilespmem:s2+$0x17460];
	_ =	sdelay $0x1  }
0x173: {  	v2 =	vmul.f32 v6, v2  }
0x174: {  	v3 =	vmul.f32 v62, v7  }
0x175: {  	s1 =	sadd.s32 $0x1, s1;
	[tilespmem:s2+$0x1B170] =	vst v2;
	v1 =	vmul.f32 v1, v5  }
0x176: {  	p3 =	sne.s32 s1, $0x8;
	[tilespmem:s2+$0x1B140] =	vst v3;
	v0 =	vmul.f32 v0, v63  }
.Ltmp8:
0x177: {  	[tilespmem:s2+$0x1B150] =	vst v1;
	(pc) =	sbr.rel @p3 .LBB2_6-.Ltmp8, $4  }
0x178: {  	s23 =	simm.s32 $0x1B140;
	[tilespmem:s2+$0x1B160] =	vst v0  }
0x179: {  	[spmem:s5] =	stream.indirect.scatter.add.f32 [tilespmem:s23], [sflag:$0x5], $0x1, s18, s16, $0xb8;
	[tilespmem:$0x1E240] =	vst v63  }
0x17a: {  	s3 =	simm.s32 @!p2 $0x155C0;
	s0 =	simm.s32 @!p2 $0x1E80;
	s2 =	simm.s32 @!p2 $0xDBC0  }
0x17b: {  	[spmem:s6] =	stream.indirect.scatter.add.f32 @!p2 [tilespmem:s3], [sflag:$0x7], $0x1, s2, s0, $0xb8;
	[tilespmem:$0x1E240] =	vst v63  }
0x17c: {  	s0 =	simm.s32 $0x5  }
0x17d: {  	_ =	swait.ge [sflag:s0], $0x1E80  }
.Ltmp9:
0x17e: {  	[sflag:s0] =	ssyncset.done $0x0;
	(pc) =	sbr.rel @p1 .LBB2_15-.Ltmp9, $4  }
0x17f: {  	[sflag:s0] =	ssyncadd.s32 $0xFFFFE180;
	s0 =	simm.s32 @!p2 $0x7  }
0x180: {  	_ =	swait.ge @!p2 [sflag:s0], $0x1E80  }
0x181: {  	[sflag:s0] =	ssyncset.done @!p2 $0x0  }
0x182: {  	[sflag:s0] =	ssyncadd.s32 @!p2 $0xFFFFE180  }
0x183: {  	s0 =	sadd.s32 $0x0, s28  }
0x184: {  	[tilespmem:s15], [sflag:$0x9] =	stream.linear.gather [hbm4b:s0+s9], $0x80, $0x38;
	[tilespmem:$0x1E240] =	vst v63  }
0x185: {  	_ =	swait.ge [sflag:s30], $0x80  }
0x186: {  	[sflag:s30] =	ssyncset.done $0x0  }
0x187: {  	s18 =	sadd.s32 $0x0, s26;
	[sflag:s30] =	ssyncadd.s32 $0xFFFFFF80  }
0x188: {  	[tilespmem:s29], [sflag:$0x9] =	stream.linear.gather [hbm4b:s18+s9], $0x80, $0x38;
	[tilespmem:$0x1E240] =	vst v63  }
0x189: {  	_ =	swait.ge [sflag:s30], $0x80  }
0x18a: {  	[sflag:s30] =	ssyncset.done $0x0  }
0x18b: {  	s23 =	sadd.s32 $0x0, s24;
	[sflag:s30] =	ssyncadd.s32 $0xFFFFFF80  }
0x18c: {  	[tilespmem:s31], [sflag:$0x9] =	stream.linear.gather [hbm4b:s23+s9], $0x80, $0x38;
	[tilespmem:$0x1E240] =	vst v63  }
0x18d: {  	_ =	swait.ge [sflag:s30], $0x80  }
0x18e: {  	[sflag:s30] =	ssyncset.done $0x0  }
0x18f: {  	[sflag:s30] =	ssyncadd.s32 $0xFFFFFF80  }
0x190: {  	[tilespmem:s10], [sflag:$0x8] =	stream.indirect.gather [spmem:s8], $0x1, s29, s4, $0xb8;
	[tilespmem:$0x1E240] =	vst v63  }
0x191: {  	_ =	swait.ge [sflag:s20], $0x80  }
0x192: {  	[sflag:s20] =	ssyncset.done $0x0  }
0x193: {  	[sflag:s20] =	ssyncadd.s32 $0xFFFFFF80  }
0x194: {  	v2 =	vld [tilespmem:$0x1E1B0]  }
0x195: {  	v0 =	vld [tilespmem:$0x1E170]  }
0x196: {  	v4 =	vld [tilespmem:$0x1E130]  }
0x197: {  	v1 =	vld [tilespmem:$0x1E0F0]  }
0x198: {  	s1 =	simm.s32 $0x10;
	v3 =	vld [tilespmem:$0x1E160]  }
.LBB2_13:
0x199: {  	v5 =	vld [tilespmem:$0x1E190];
	s11 =	smov.u32 s1;
	s1 =	sadd.s32 $0x10, s1  }
0x19a: {  	p3 =	sne.s32 s1, $0x90;
	v6 =	vld [tilespmem:$0x1E0E0]  }
0x19b: {  	v7 =	vld [tilespmem:$0x1E1A0]  }
0x19c: {  	v8 =	vld [tilespmem:$0x1E110]  }
0x19d: {  	v9 =	vld [tilespmem:$0x1E0C0]  }
0x19e: {  	v2 =	vmul.f32 v2, v4;
	v10 =	vld [tilespmem:$0x1E180]  }
0x19f: {  	v4 =	vld [tilespmem:$0x1E150]  }
0x1a0: {  	v3 =	vmul.f32 v3, v6;
	v6 =	vld [tilespmem:$0x1E100];
	[tilespmem:$0x1E230] =	vst v2  }
0x1a1: {  	v2 =	vmul.f32 v5, v8;
	v5 =	vld [tilespmem:$0x1E120]  }
0x1a2: {  	v0 =	vmul.f32 v0, v1;
	v8 =	vld [tilespmem:$0x1E140]  }
0x1a3: {  	v1 =	vld [tilespmem:$0x1E0D0];
	[tilespmem:$0x1E210] =	vst v2  }
0x1a4: {  	[tilespmem:$0x1E1E0] =	vst v3  }
0x1a5: {  	[tilespmem:$0x1E1F0] =	vst v0;
	v0 =	vmul.f32 v10, v6  }
0x1a6: {  	v2 =	vmul.f32 v7, v5  }
0x1a7: {  	v3 =	vmul.f32 v8, v9;
	[tilespmem:$0x1E200] =	vst v0  }
0x1a8: {  	v0 =	vmul.f32 v4, v1;
	[tilespmem:$0x1E220] =	vst v2  }
0x1a9: {  	[tilespmem:$0x1E1C0] =	vst v3  }
0x1aa: {  	[tilespmem:$0x1E1D0] =	vst v0  }
0x1ab: {  	[spmem:s5] =	stream.indirect.scatter.add.f32 [tilespmem:s14], [sflag:$0x8], $0x1, s15, s4, $0xb8;
	[tilespmem:$0x1E240] =	vst v63  }
0x1ac: {  	_ =	swait.ge [sflag:s20], $0x80  }
0x1ad: {  	s2 =	simm.s32 @!p2 $0x1E0C0;
	s0 =	simm.s32 @!p2 $0x8;
	[sflag:s20] =	ssyncset.done $0x0  }
0x1ae: {  	s12 =	simm.s32 @!p2 $0x80;
	s3 =	simm.s32 @!p2 $0x1DFC0;
	[sflag:s20] =	ssyncadd.s32 $0xFFFFFF80  }
0x1af: {  	[spmem:s6] =	stream.indirect.scatter.add.f32 @!p2 [tilespmem:s2], [sflag:$0x8], $0x1, s3, s12, $0xb8;
	[tilespmem:$0x1E240] =	vst v63  }
0x1b0: {  	_ =	swait.ge @!p2 [sflag:s0], $0x80  }
0x1b1: {  	[sflag:s0] =	ssyncset.done @!p2 $0x0  }
0x1b2: {  	s23 =	sadd.s32 s11, s28;
	[sflag:s0] =	ssyncadd.s32 @!p2 $0xFFFFFF80  }
0x1b3: {  	[tilespmem:s15], [sflag:$0x9] =	stream.linear.gather [hbm4b:s23+s9], $0x80, $0x38;
	[tilespmem:$0x1E240] =	vst v63  }
0x1b4: {  	_ =	swait.ge [sflag:s30], $0x80  }
0x1b5: {  	[sflag:s30] =	ssyncset.done $0x0  }
0x1b6: {  	s23 =	sadd.s32 s11, s26;
	[sflag:s30] =	ssyncadd.s32 $0xFFFFFF80  }
0x1b7: {  	[tilespmem:s29], [sflag:$0x9] =	stream.linear.gather [hbm4b:s23+s9], $0x80, $0x38;
	[tilespmem:$0x1E240] =	vst v63  }
0x1b8: {  	_ =	swait.ge [sflag:s30], $0x80  }
0x1b9: {  	[sflag:s30] =	ssyncset.done $0x0  }
0x1ba: {  	s11 =	sadd.s32 s11, s24;
	[sflag:s30] =	ssyncadd.s32 $0xFFFFFF80  }
0x1bb: {  	[tilespmem:s31], [sflag:$0x9] =	stream.linear.gather [hbm4b:s11+s9], $0x80, $0x38;
	[tilespmem:$0x1E240] =	vst v63  }
0x1bc: {  	_ =	swait.ge [sflag:s30], $0x80  }
0x1bd: {  	[sflag:s30] =	ssyncset.done $0x0  }
0x1be: {  	[sflag:s30] =	ssyncadd.s32 $0xFFFFFF80  }
0x1bf: {  	[tilespmem:s10], [sflag:$0x8] =	stream.indirect.gather [spmem:s8], $0x1, s29, s4, $0xb8;
	[tilespmem:$0x1E240] =	vst v63  }
0x1c0: {  	_ =	swait.ge [sflag:s20], $0x80  }
0x1c1: {  	[sflag:s20] =	ssyncset.done $0x0  }
0x1c2: {  	[sflag:s20] =	ssyncadd.s32 $0xFFFFFF80  }
.Ltmp10:
0x1c3: {  	v2 =	vld [tilespmem:$0x1E1B0];
	(pc) =	sbr.rel @p3 .LBB2_13-.Ltmp10, $4  }
0x1c4: {  	v0 =	vld [tilespmem:$0x1E170]  }
0x1c5: {  	v4 =	vld [tilespmem:$0x1E130]  }
0x1c6: {  	v1 =	vld [tilespmem:$0x1E0F0]  }
0x1c7: {  	v3 =	vld [tilespmem:$0x1E160]  }
0x1c8: {  	v5 =	vld [tilespmem:$0x1E190]  }
0x1c9: {  	v6 =	vld [tilespmem:$0x1E0E0]  }
0x1ca: {  	v7 =	vld [tilespmem:$0x1E1A0]  }
0x1cb: {  	v8 =	vld [tilespmem:$0x1E110]  }
0x1cc: {  	v9 =	vld [tilespmem:$0x1E0C0]  }
0x1cd: {  	v10 =	vld [tilespmem:$0x1E180]  }
0x1ce: {  	v11 =	vld [tilespmem:$0x1E150]  }
0x1cf: {  	v12 =	vld [tilespmem:$0x1E100]  }
0x1d0: {  	v57 =	vld [tilespmem:$0x1E120];
	v2 =	vmul.f32 v2, v4  }
0x1d1: {  	v58 =	vld [tilespmem:$0x1E140];
	v0 =	vmul.f32 v0, v1  }
0x1d2: {  	v59 =	vld [tilespmem:$0x1E0D0];
	[tilespmem:$0x1E230] =	vst v2;
	v5 =	vmul.f32 v5, v8  }
0x1d3: {  	v3 =	vmul.f32 v3, v6;
	[tilespmem:$0x1E1F0] =	vst v0  }
0x1d4: {  	v60 =	vmul.f32 v10, v12;
	[tilespmem:$0x1E210] =	vst v5  }
0x1d5: {  	v61 =	vmul.f32 v7, v57;
	[tilespmem:$0x1E1E0] =	vst v3  }
0x1d6: {  	v62 =	vmul.f32 v58, v9;
	[tilespmem:$0x1E200] =	vst v60  }
0x1d7: {  	v63 =	vmul.f32 v11, v59;
	[tilespmem:$0x1E220] =	vst v61  }
0x1d8: {  	[tilespmem:$0x1E1C0] =	vst v62  }
0x1d9: {  	[tilespmem:$0x1E1D0] =	vst v63  }
0x1da: {  	[spmem:s5] =	stream.indirect.scatter.add.f32 [tilespmem:s14], [sflag:$0x8], $0x1, s15, s4, $0xb8;
	[tilespmem:$0x1E240] =	vst v63  }
0x1db: {  	_ =	swait.ge [sflag:s20], $0x80  }
0x1dc: {  	[sflag:s20] =	ssyncset.done $0x0  }
.Ltmp11:
0x1dd: {  	[sflag:s20] =	ssyncadd.s32 $0xFFFFFF80;
	(pc) =	sbr.rel .LBB2_15-.Ltmp11, $4  }
0x1de: {  	[spmem:s6] =	stream.indirect.scatter.add.f32 @!p2 [tilespmem:s2], [sflag:$0x8], $0x1, s3, s12, $0xb8;
	[tilespmem:$0x1E240] =	vst v63  }
0x1df: {  	_ =	swait.ge @!p2 [sflag:s0], $0x80  }
0x1e0: {  	[sflag:s0] =	ssyncset.done @!p2 $0x0  }
0x1e1: {  	[sflag:s0] =	ssyncadd.s32 @!p2 $0xFFFFFF80  }
.LBB2_17:
0x1e2: {  	_ =	sfence.sel $0x180000  }
0x1e3: {  	[bflag:$0x0] =	sbarrier.arrive $0xFFFF  }
0x1e4: {  	_ =	strace $0x90000047  }
0x1e5: {  	s0 =	stileid.u32;
	[bflag:$0x2] =	sbarrier.arrive $0xFFFF  }
0x1e6: {  	p0 =	sne.s32 s0, $0x0;
	s0 =	rddreg [dreg:$0x8]  }
0x1e7: {  	s0 =	sadd.s32 @!p0 $0x100000, s0  }
0x1e8: {  	[sflag:s0] =	ssyncadd.tile.s32 @!p0 $0x1;
	_ =	shalt  }
.Lfunc_end2:
_tile_overlayer_lowered:
.L_overlay_start_2:
0x1e9: {  	(tag) =	ssettag $0x2  }
0x1ea: {  	s0 =	rddreg [dreg:$0x0];
	s2 =	stileid.u32  }
0x1eb: {  	s1 =	rddreg [dreg:$0x1];
	p0 =	sne.s32 s2, $0x0  }
0x1ec: {  	s3 =	rddreg [dreg:$0x2];
	[bflag:$0x3] =	sbarrier.arrive $0xFFFF;
	s2 =	simm.s32 @!p0 $0x1C09  }
0x1ed: {  	[timem:s3], [sflag:s2] =	dma.local @!p0 [hbm:s0], s1  }
0x1ee: {  	s0 =	simm.s32 @!p0 $0x9  }
0x1ef: {  	_ =	swait.ge @!p0 [sflag:s0], s1  }
0x1f0: {  	s1 =	ssub.s32 @!p0 $0x0, s1;
	[sflag:s0] =	ssyncset.done @!p0 $0x0  }
0x1f1: {  	[sflag:s0] =	ssyncadd.s32 @!p0 s1  }
0x1f2: {  	[bflag:$0x3] =	sbarrier.arrive $0xFFFF  }
0x1f3: {  	_ =	shalt  }

</sc_bundles>
